<compile_context>
chip_gen: v7x
topology: tpu7x:2x2x1
jax: 0.10.2.dev20260603
libtpu: 0.0.44.dev20260713+nightly
codegen_flags: <defaults>
</compile_context>

<pallas_src>
import functools

import jax
import jax.numpy as jnp
from jax import lax
from jax.experimental import pallas as pl
from jax.experimental.pallas import tpu as pltpu
from jax.experimental.pallas import tpu_sc as plsc

_N_SUB = 1_000_000
_N_IDS = 16384
_NS = 16
_CA = 40000
_CB = 22496
_CR = _N_SUB - _NS * _CA - (_NS - 1) * _CB
_SCRATCH = 40192

_mesh = plsc.VectorSubcoreMesh(core_axis_name="c", subcore_axis_name="s")


@functools.partial(
    pl.kernel,
    out_type=jax.ShapeDtypeStruct((_N_SUB,), jnp.float32),
    mesh=_mesh,
    scratch_types=[
        pltpu.VMEM((_N_IDS,), jnp.int32),
        pltpu.VMEM((_SCRATCH,), jnp.float32),
        pltpu.SemaphoreType.DMA,
    ],
    compiler_params=pltpu.CompilerParams(
        needs_layout_passes=False,
        disable_bounds_checks=True,
        disable_semaphore_checks=True,
    ),
)
def _mask_kernel(ids_hbm, out_hbm, ids_v, chunk_v, sem):
    c = lax.axis_index("c")
    s = lax.axis_index("s")
    lo = jnp.where(c == 1, s * _CA, _NS * _CA + s * _CB)
    size = jnp.where(c == 1, _CA, jnp.where(s == _NS - 1, _CR, _CB))
    hi = lo + size

    ids_copy = pltpu.async_copy(ids_hbm, ids_v, sem)

    zero16 = jnp.zeros((16,), jnp.float32)

    @plsc.parallel_loop(0, _SCRATCH, step=256, unroll=2)
    def _(base):
        for j in range(16):
            chunk_v[pl.ds(base + j * 16, 16)] = zero16

    ids_copy.wait()

    ones16 = jnp.full((16,), 1.0, jnp.float32)
    size_u = lax.convert_element_type(size, jnp.uint32)

    @plsc.parallel_loop(0, _N_IDS, step=128, unroll=4)
    def _(base):
        for j in range(8):
            ids16 = ids_v[pl.ds(base + j * 16, 16)]
            local = ids16 - lo
            inb = plsc.bitcast(local, jnp.uint32) < size_u
            plsc.store_scatter(chunk_v, [local], ones16, mask=inb)

    @pl.when(c == 1)
    def _():
        pltpu.sync_copy(chunk_v.at[pl.ds(0, _CA)], out_hbm.at[pl.ds(lo, _CA)])

    @pl.when((c == 0) & (s < _NS - 1))
    def _():
        pltpu.sync_copy(chunk_v.at[pl.ds(0, _CB)], out_hbm.at[pl.ds(lo, _CB)])

    @pl.when((c == 0) & (s == _NS - 1))
    def _():
        pltpu.sync_copy(chunk_v.at[pl.ds(0, _CR)], out_hbm.at[pl.ds(lo, _CR)])


def kernel(subject_ids):
    ids = jnp.reshape(subject_ids, (-1,)).astype(jnp.int32)
    return _mask_kernel(ids)

# --- scband reference (transcript-rebuilt; emitter-appended) ---
"""Pipeline reference for scband-subject-masking-layer-64707977281688 (READ-ONLY COPY).

The authoritative reference and input builder live on the scoring server;
editing this copy changes nothing except your own understanding.
"""

import jax, jax.numpy as jnp
import numpy as np

N_SUBJECTS = 1000000
BATCH = 16384


def setup_inputs(seed: int = 0) -> dict:
    key = jax.random.key(seed)
    subject_ids = jax.random.randint(key, (BATCH,), 0, N_SUBJECTS, dtype=jnp.int32)
    return {"subject_ids": subject_ids}


def reference(subject_ids):
    # Faithful to: cast->unique->one_hot->reduce_sum->min(.,1)
    # Equivalent formulation: scatter-add counts over all ids, then clamp at 1.
    # (unique+one_hot+sum gives exactly 1 per present subject; scatter-add gives
    #  counts >= 1 for present subjects; min(.,1.0) makes them identical.)
    ids = jnp.reshape(subject_ids, (-1,)).astype(jnp.int32)
    counts = jnp.zeros((N_SUBJECTS,), dtype=jnp.float32).at[ids].add(1.0)
    mask = jnp.minimum(counts, 1.0)
    return mask

if __name__ == "__main__":
    import jax
    _d = setup_inputs()
    print(jax.jit(kernel)(*tuple(_d.values())))

</pallas_src>

<mosaic_0001>
#map = affine_map<(d0, d1) -> (0)>
module attributes {stable_mosaic.version = 14 : i64} {
  func.func @_mask_kernel(%arg0: i32, %arg1: i32, %arg2: memref<16384xi32, #tpu.memory_space<hbm>>, %arg3: memref<1000000xf32, #tpu.memory_space<hbm>>, %arg4: memref<16384xi32, #tpu.memory_space<vmem>>, %arg5: memref<40192xf32, #tpu.memory_space<vmem>>, %arg6: memref<!tpu.dma_semaphore, #tpu.memory_space<semaphore_mem>>) attributes {dimension_semantics = [#tpu.dimension_semantics<core_parallel>, #tpu.dimension_semantics<subcore_parallel>], iteration_bounds = array<i64: 2, 16>, scalar_prefetch = 0 : i64, scratch_operands = 3 : i64, tpu.core_type = #tpu.core_type<sc_vector_subcore>, window_params = [{transform_indices = #map}, {transform_indices = #map}]} {
    %eq3A = arith.constant 1 : i32
    %eq3A_0 = arith.cmpi eq, %arg0, %eq3A : i32
    %mul3A = arith.constant 40000 : i32
    %mul3A_1 = arith.muli %arg1, %mul3A : i32
    %mul3A_2 = arith.constant 22496 : i32
    %mul3A_3 = arith.muli %arg1, %mul3A_2 : i32
    %add3A = arith.constant 640000 : i32
    %add3A_4 = arith.addi %add3A, %mul3A_3 : i32
    %select_n3A = arith.select %eq3A_0, %mul3A_1, %add3A_4 : i32
    %eq3A_5 = arith.constant 1 : i32
    %eq3A_6 = arith.cmpi eq, %arg0, %eq3A_5 : i32
    %eq3A_7 = arith.constant 15 : i32
    %eq3A_8 = arith.cmpi eq, %arg1, %eq3A_7 : i32
    %jit3A = arith.constant 22560 : i32
    %jit3A_9 = arith.constant 22496 : i32
    %select_n3A_10 = arith.select %eq3A_8, %jit3A, %jit3A_9 : i32
    %jit3A_11 = arith.constant 40000 : i32
    %select_n3A_12 = arith.select %eq3A_6, %jit3A_11, %select_n3A_10 : i32
    %add3A_13 = arith.addi %select_n3A, %select_n3A_12 : i32
    tpu.enqueue_dma source(%arg2 : memref<16384xi32, #tpu.memory_space<hbm>>) target(%arg4 : memref<16384xi32, #tpu.memory_space<vmem>>) target_semaphore(%arg6 : memref<!tpu.dma_semaphore, #tpu.memory_space<semaphore_mem>>)
    %broadcast_in_dim3A = arith.constant 0.000000e+00 : f32
    %broadcast_in_dim3A_14 = vector.broadcast %broadcast_in_dim3A : f32 to vector<16xf32>
    %parallel_loop3A = arith.constant 0 : i32
    %parallel_loop3A_15 = arith.constant 40192 : i32
    %parallel_loop3A_16 = arith.constant 256 : i32
    scf.for %parallel_loop3A_39 = %parallel_loop3A to %parallel_loop3A_15 step %parallel_loop3A_16  : i32 {
      %parallel_loop3A_40 = arith.constant 0 : i32
      %parallel_loop3A_41 = arith.addi %parallel_loop3A_39, %parallel_loop3A_40 : i32
      %parallel_loop3A_42 = arith.index_cast %parallel_loop3A_41 : i32 to index
      %parallel_loop3A_43 = tpu.vector_load %arg5[%parallel_loop3A_42] {strides = array<i32>} : memref<40192xf32, #tpu.memory_space<vmem>>, vector<16xf32>,
      tpu.vector_store %arg5[%parallel_loop3A_42], %broadcast_in_dim3A_14 {strides = array<i32>} : memref<40192xf32, #tpu.memory_space<vmem>>, vector<16xf32>,
      %parallel_loop3A_44 = arith.constant 16 : i32
      %parallel_loop3A_45 = arith.addi %parallel_loop3A_39, %parallel_loop3A_44 : i32
      %parallel_loop3A_46 = arith.index_cast %parallel_loop3A_45 : i32 to index
      %parallel_loop3A_47 = tpu.vector_load %arg5[%parallel_loop3A_46] {strides = array<i32>} : memref<40192xf32, #tpu.memory_space<vmem>>, vector<16xf32>,
      tpu.vector_store %arg5[%parallel_loop3A_46], %broadcast_in_dim3A_14 {strides = array<i32>} : memref<40192xf32, #tpu.memory_space<vmem>>, vector<16xf32>,
      %parallel_loop3A_48 = arith.constant 32 : i32
      %parallel_loop3A_49 = arith.addi %parallel_loop3A_39, %parallel_loop3A_48 : i32
      %parallel_loop3A_50 = arith.index_cast %parallel_loop3A_49 : i32 to index
      %parallel_loop3A_51 = tpu.vector_load %arg5[%parallel_loop3A_50] {strides = array<i32>} : memref<40192xf32, #tpu.memory_space<vmem>>, vector<16xf32>,
      tpu.vector_store %arg5[%parallel_loop3A_50], %broadcast_in_dim3A_14 {strides = array<i32>} : memref<40192xf32, #tpu.memory_space<vmem>>, vector<16xf32>,
      %parallel_loop3A_52 = arith.constant 48 : i32
      %parallel_loop3A_53 = arith.addi %parallel_loop3A_39, %parallel_loop3A_52 : i32
      %parallel_loop3A_54 = arith.index_cast %parallel_loop3A_53 : i32 to index
      %parallel_loop3A_55 = tpu.vector_load %arg5[%parallel_loop3A_54] {strides = array<i32>} : memref<40192xf32, #tpu.memory_space<vmem>>, vector<16xf32>,
      tpu.vector_store %arg5[%parallel_loop3A_54], %broadcast_in_dim3A_14 {strides = array<i32>} : memref<40192xf32, #tpu.memory_space<vmem>>, vector<16xf32>,
      %parallel_loop3A_56 = arith.constant 64 : i32
      %parallel_loop3A_57 = arith.addi %parallel_loop3A_39, %parallel_loop3A_56 : i32
      %parallel_loop3A_58 = arith.index_cast %parallel_loop3A_57 : i32 to index
      %parallel_loop3A_59 = tpu.vector_load %arg5[%parallel_loop3A_58] {strides = array<i32>} : memref<40192xf32, #tpu.memory_space<vmem>>, vector<16xf32>,
      tpu.vector_store %arg5[%parallel_loop3A_58], %broadcast_in_dim3A_14 {strides = array<i32>} : memref<40192xf32, #tpu.memory_space<vmem>>, vector<16xf32>,
      %parallel_loop3A_60 = arith.constant 80 : i32
      %parallel_loop3A_61 = arith.addi %parallel_loop3A_39, %parallel_loop3A_60 : i32
      %parallel_loop3A_62 = arith.index_cast %parallel_loop3A_61 : i32 to index
      %parallel_loop3A_63 = tpu.vector_load %arg5[%parallel_loop3A_62] {strides = array<i32>} : memref<40192xf32, #tpu.memory_space<vmem>>, vector<16xf32>,
      tpu.vector_store %arg5[%parallel_loop3A_62], %broadcast_in_dim3A_14 {strides = array<i32>} : memref<40192xf32, #tpu.memory_space<vmem>>, vector<16xf32>,
      %parallel_loop3A_64 = arith.constant 96 : i32
      %parallel_loop3A_65 = arith.addi %parallel_loop3A_39, %parallel_loop3A_64 : i32
      %parallel_loop3A_66 = arith.index_cast %parallel_loop3A_65 : i32 to index
      %parallel_loop3A_67 = tpu.vector_load %arg5[%parallel_loop3A_66] {strides = array<i32>} : memref<40192xf32, #tpu.memory_space<vmem>>, vector<16xf32>,
      tpu.vector_store %arg5[%parallel_loop3A_66], %broadcast_in_dim3A_14 {strides = array<i32>} : memref<40192xf32, #tpu.memory_space<vmem>>, vector<16xf32>,
      %parallel_loop3A_68 = arith.constant 112 : i32
      %parallel_loop3A_69 = arith.addi %parallel_loop3A_39, %parallel_loop3A_68 : i32
      %parallel_loop3A_70 = arith.index_cast %parallel_loop3A_69 : i32 to index
      %parallel_loop3A_71 = tpu.vector_load %arg5[%parallel_loop3A_70] {strides = array<i32>} : memref<40192xf32, #tpu.memory_space<vmem>>, vector<16xf32>,
      tpu.vector_store %arg5[%parallel_loop3A_70], %broadcast_in_dim3A_14 {strides = array<i32>} : memref<40192xf32, #tpu.memory_space<vmem>>, vector<16xf32>,
      %parallel_loop3A_72 = arith.constant 128 : i32
      %parallel_loop3A_73 = arith.addi %parallel_loop3A_39, %parallel_loop3A_72 : i32
      %parallel_loop3A_74 = arith.index_cast %parallel_loop3A_73 : i32 to index
      %parallel_loop3A_75 = tpu.vector_load %arg5[%parallel_loop3A_74] {strides = array<i32>} : memref<40192xf32, #tpu.memory_space<vmem>>, vector<16xf32>,
      tpu.vector_store %arg5[%parallel_loop3A_74], %broadcast_in_dim3A_14 {strides = array<i32>} : memref<40192xf32, #tpu.memory_space<vmem>>, vector<16xf32>,
      %parallel_loop3A_76 = arith.constant 144 : i32
      %parallel_loop3A_77 = arith.addi %parallel_loop3A_39, %parallel_loop3A_76 : i32
      %parallel_loop3A_78 = arith.index_cast %parallel_loop3A_77 : i32 to index
      %parallel_loop3A_79 = tpu.vector_load %arg5[%parallel_loop3A_78] {strides = array<i32>} : memref<40192xf32, #tpu.memory_space<vmem>>, vector<16xf32>,
      tpu.vector_store %arg5[%parallel_loop3A_78], %broadcast_in_dim3A_14 {strides = array<i32>} : memref<40192xf32, #tpu.memory_space<vmem>>, vector<16xf32>,
      %parallel_loop3A_80 = arith.constant 160 : i32
      %parallel_loop3A_81 = arith.addi %parallel_loop3A_39, %parallel_loop3A_80 : i32
      %parallel_loop3A_82 = arith.index_cast %parallel_loop3A_81 : i32 to index
      %parallel_loop3A_83 = tpu.vector_load %arg5[%parallel_loop3A_82] {strides = array<i32>} : memref<40192xf32, #tpu.memory_space<vmem>>, vector<16xf32>,
      tpu.vector_store %arg5[%parallel_loop3A_82], %broadcast_in_dim3A_14 {strides = array<i32>} : memref<40192xf32, #tpu.memory_space<vmem>>, vector<16xf32>,
      %parallel_loop3A_84 = arith.constant 176 : i32
      %parallel_loop3A_85 = arith.addi %parallel_loop3A_39, %parallel_loop3A_84 : i32
      %parallel_loop3A_86 = arith.index_cast %parallel_loop3A_85 : i32 to index
      %parallel_loop3A_87 = tpu.vector_load %arg5[%parallel_loop3A_86] {strides = array<i32>} : memref<40192xf32, #tpu.memory_space<vmem>>, vector<16xf32>,
      tpu.vector_store %arg5[%parallel_loop3A_86], %broadcast_in_dim3A_14 {strides = array<i32>} : memref<40192xf32, #tpu.memory_space<vmem>>, vector<16xf32>,
      %parallel_loop3A_88 = arith.constant 192 : i32
      %parallel_loop3A_89 = arith.addi %parallel_loop3A_39, %parallel_loop3A_88 : i32
      %parallel_loop3A_90 = arith.index_cast %parallel_loop3A_89 : i32 to index
      %parallel_loop3A_91 = tpu.vector_load %arg5[%parallel_loop3A_90] {strides = array<i32>} : memref<40192xf32, #tpu.memory_space<vmem>>, vector<16xf32>,
      tpu.vector_store %arg5[%parallel_loop3A_90], %broadcast_in_dim3A_14 {strides = array<i32>} : memref<40192xf32, #tpu.memory_space<vmem>>, vector<16xf32>,
      %parallel_loop3A_92 = arith.constant 208 : i32
      %parallel_loop3A_93 = arith.addi %parallel_loop3A_39, %parallel_loop3A_92 : i32
      %parallel_loop3A_94 = arith.index_cast %parallel_loop3A_93 : i32 to index
      %parallel_loop3A_95 = tpu.vector_load %arg5[%parallel_loop3A_94] {strides = array<i32>} : memref<40192xf32, #tpu.memory_space<vmem>>, vector<16xf32>,
      tpu.vector_store %arg5[%parallel_loop3A_94], %broadcast_in_dim3A_14 {strides = array<i32>} : memref<40192xf32, #tpu.memory_space<vmem>>, vector<16xf32>,
      %parallel_loop3A_96 = arith.constant 224 : i32
      %parallel_loop3A_97 = arith.addi %parallel_loop3A_39, %parallel_loop3A_96 : i32
      %parallel_loop3A_98 = arith.index_cast %parallel_loop3A_97 : i32 to index
      %parallel_loop3A_99 = tpu.vector_load %arg5[%parallel_loop3A_98] {strides = array<i32>} : memref<40192xf32, #tpu.memory_space<vmem>>, vector<16xf32>,
      tpu.vector_store %arg5[%parallel_loop3A_98], %broadcast_in_dim3A_14 {strides = array<i32>} : memref<40192xf32, #tpu.memory_space<vmem>>, vector<16xf32>,
      %parallel_loop3A_100 = arith.constant 240 : i32
      %parallel_loop3A_101 = arith.addi %parallel_loop3A_39, %parallel_loop3A_100 : i32
      %parallel_loop3A_102 = arith.index_cast %parallel_loop3A_101 : i32 to index
      %parallel_loop3A_103 = tpu.vector_load %arg5[%parallel_loop3A_102] {strides = array<i32>} : memref<40192xf32, #tpu.memory_space<vmem>>, vector<16xf32>,
      tpu.vector_store %arg5[%parallel_loop3A_102], %broadcast_in_dim3A_14 {strides = array<i32>} : memref<40192xf32, #tpu.memory_space<vmem>>, vector<16xf32>,
    } {sc.loop_unroll_factor = 2 : i64, sc.parallel_access}
    tpu.wait_dma2 semaphore(%arg6 : memref<!tpu.dma_semaphore, #tpu.memory_space<semaphore_mem>>) src(%arg2 : memref<16384xi32, #tpu.memory_space<hbm>>) dst(%arg4 : memref<16384xi32, #tpu.memory_space<vmem>>)
    %broadcast_in_dim3A_17 = arith.constant 1.000000e+00 : f32
    %broadcast_in_dim3A_18 = vector.broadcast %broadcast_in_dim3A_17 : f32 to vector<16xf32>
    %parallel_loop3A_19 = arith.constant 0 : i32
    %parallel_loop3A_20 = arith.constant 16384 : i32
    %parallel_loop3A_21 = arith.constant 128 : i32
    scf.for %parallel_loop3A_39 = %parallel_loop3A_19 to %parallel_loop3A_20 step %parallel_loop3A_21  : i32 {
      %parallel_loop3A_40 = arith.constant 0 : i32
      %parallel_loop3A_41 = arith.addi %parallel_loop3A_39, %parallel_loop3A_40 : i32
      %parallel_loop3A_42 = arith.index_cast %parallel_loop3A_41 : i32 to index
      %parallel_loop3A_43 = tpu.vector_load %arg4[%parallel_loop3A_42] {strides = array<i32>} : memref<16384xi32, #tpu.memory_space<vmem>>, vector<16xi32>,
      %parallel_loop3A_44 = vector.broadcast %select_n3A : i32 to vector<16xi32>
      %parallel_loop3A_45 = arith.subi %parallel_loop3A_43, %parallel_loop3A_44 : vector<16xi32>
      %parallel_loop3A_46 = vector.bitcast %parallel_loop3A_45 : vector<16xi32> to vector<16xi32>
      %parallel_loop3A_47 = vector.broadcast %select_n3A_12 : i32 to vector<16xi32>
      %parallel_loop3A_48 = arith.cmpi ult, %parallel_loop3A_46, %parallel_loop3A_47 : vector<16xi32>
      tpu.vector_store_idx %arg5[%parallel_loop3A_45], %broadcast_in_dim3A_18 masked %parallel_loop3A_48 : memref<40192xf32, #tpu.memory_space<vmem>>[vector<16xi32>], vector<16xf32>, vector<16xi1>
      %parallel_loop3A_49 = arith.constant 16 : i32
      %parallel_loop3A_50 = arith.addi %parallel_loop3A_39, %parallel_loop3A_49 : i32
      %parallel_loop3A_51 = arith.index_cast %parallel_loop3A_50 : i32 to index
      %parallel_loop3A_52 = tpu.vector_load %arg4[%parallel_loop3A_51] {strides = array<i32>} : memref<16384xi32, #tpu.memory_space<vmem>>, vector<16xi32>,
      %parallel_loop3A_53 = vector.broadcast %select_n3A : i32 to vector<16xi32>
      %parallel_loop3A_54 = arith.subi %parallel_loop3A_52, %parallel_loop3A_53 : vector<16xi32>
      %parallel_loop3A_55 = vector.bitcast %parallel_loop3A_54 : vector<16xi32> to vector<16xi32>
      %parallel_loop3A_56 = vector.broadcast %select_n3A_12 : i32 to vector<16xi32>
      %parallel_loop3A_57 = arith.cmpi ult, %parallel_loop3A_55, %parallel_loop3A_56 : vector<16xi32>
      tpu.vector_store_idx %arg5[%parallel_loop3A_54], %broadcast_in_dim3A_18 masked %parallel_loop3A_57 : memref<40192xf32, #tpu.memory_space<vmem>>[vector<16xi32>], vector<16xf32>, vector<16xi1>
      %parallel_loop3A_58 = arith.constant 32 : i32
      %parallel_loop3A_59 = arith.addi %parallel_loop3A_39, %parallel_loop3A_58 : i32
      %parallel_loop3A_60 = arith.index_cast %parallel_loop3A_59 : i32 to index
      %parallel_loop3A_61 = tpu.vector_load %arg4[%parallel_loop3A_60] {strides = array<i32>} : memref<16384xi32, #tpu.memory_space<vmem>>, vector<16xi32>,
      %parallel_loop3A_62 = vector.broadcast %select_n3A : i32 to vector<16xi32>
      %parallel_loop3A_63 = arith.subi %parallel_loop3A_61, %parallel_loop3A_62 : vector<16xi32>
      %parallel_loop3A_64 = vector.bitcast %parallel_loop3A_63 : vector<16xi32> to vector<16xi32>
      %parallel_loop3A_65 = vector.broadcast %select_n3A_12 : i32 to vector<16xi32>
      %parallel_loop3A_66 = arith.cmpi ult, %parallel_loop3A_64, %parallel_loop3A_65 : vector<16xi32>
      tpu.vector_store_idx %arg5[%parallel_loop3A_63], %broadcast_in_dim3A_18 masked %parallel_loop3A_66 : memref<40192xf32, #tpu.memory_space<vmem>>[vector<16xi32>], vector<16xf32>, vector<16xi1>
      %parallel_loop3A_67 = arith.constant 48 : i32
      %parallel_loop3A_68 = arith.addi %parallel_loop3A_39, %parallel_loop3A_67 : i32
      %parallel_loop3A_69 = arith.index_cast %parallel_loop3A_68 : i32 to index
      %parallel_loop3A_70 = tpu.vector_load %arg4[%parallel_loop3A_69] {strides = array<i32>} : memref<16384xi32, #tpu.memory_space<vmem>>, vector<16xi32>,
      %parallel_loop3A_71 = vector.broadcast %select_n3A : i32 to vector<16xi32>
      %parallel_loop3A_72 = arith.subi %parallel_loop3A_70, %parallel_loop3A_71 : vector<16xi32>
      %parallel_loop3A_73 = vector.bitcast %parallel_loop3A_72 : vector<16xi32> to vector<16xi32>
      %parallel_loop3A_74 = vector.broadcast %select_n3A_12 : i32 to vector<16xi32>
      %parallel_loop3A_75 = arith.cmpi ult, %parallel_loop3A_73, %parallel_loop3A_74 : vector<16xi32>
      tpu.vector_store_idx %arg5[%parallel_loop3A_72], %broadcast_in_dim3A_18 masked %parallel_loop3A_75 : memref<40192xf32, #tpu.memory_space<vmem>>[vector<16xi32>], vector<16xf32>, vector<16xi1>
      %parallel_loop3A_76 = arith.constant 64 : i32
      %parallel_loop3A_77 = arith.addi %parallel_loop3A_39, %parallel_loop3A_76 : i32
      %parallel_loop3A_78 = arith.index_cast %parallel_loop3A_77 : i32 to index
      %parallel_loop3A_79 = tpu.vector_load %arg4[%parallel_loop3A_78] {strides = array<i32>} : memref<16384xi32, #tpu.memory_space<vmem>>, vector<16xi32>,
      %parallel_loop3A_80 = vector.broadcast %select_n3A : i32 to vector<16xi32>
      %parallel_loop3A_81 = arith.subi %parallel_loop3A_79, %parallel_loop3A_80 : vector<16xi32>
      %parallel_loop3A_82 = vector.bitcast %parallel_loop3A_81 : vector<16xi32> to vector<16xi32>
      %parallel_loop3A_83 = vector.broadcast %select_n3A_12 : i32 to vector<16xi32>
      %parallel_loop3A_84 = arith.cmpi ult, %parallel_loop3A_82, %parallel_loop3A_83 : vector<16xi32>
      tpu.vector_store_idx %arg5[%parallel_loop3A_81], %broadcast_in_dim3A_18 masked %parallel_loop3A_84 : memref<40192xf32, #tpu.memory_space<vmem>>[vector<16xi32>], vector<16xf32>, vector<16xi1>
      %parallel_loop3A_85 = arith.constant 80 : i32
      %parallel_loop3A_86 = arith.addi %parallel_loop3A_39, %parallel_loop3A_85 : i32
      %parallel_loop3A_87 = arith.index_cast %parallel_loop3A_86 : i32 to index
      %parallel_loop3A_88 = tpu.vector_load %arg4[%parallel_loop3A_87] {strides = array<i32>} : memref<16384xi32, #tpu.memory_space<vmem>>, vector<16xi32>,
      %parallel_loop3A_89 = vector.broadcast %select_n3A : i32 to vector<16xi32>
      %parallel_loop3A_90 = arith.subi %parallel_loop3A_88, %parallel_loop3A_89 : vector<16xi32>
      %parallel_loop3A_91 = vector.bitcast %parallel_loop3A_90 : vector<16xi32> to vector<16xi32>
      %parallel_loop3A_92 = vector.broadcast %select_n3A_12 : i32 to vector<16xi32>
      %parallel_loop3A_93 = arith.cmpi ult, %parallel_loop3A_91, %parallel_loop3A_92 : vector<16xi32>
      tpu.vector_store_idx %arg5[%parallel_loop3A_90], %broadcast_in_dim3A_18 masked %parallel_loop3A_93 : memref<40192xf32, #tpu.memory_space<vmem>>[vector<16xi32>], vector<16xf32>, vector<16xi1>
      %parallel_loop3A_94 = arith.constant 96 : i32
      %parallel_loop3A_95 = arith.addi %parallel_loop3A_39, %parallel_loop3A_94 : i32
      %parallel_loop3A_96 = arith.index_cast %parallel_loop3A_95 : i32 to index
      %parallel_loop3A_97 = tpu.vector_load %arg4[%parallel_loop3A_96] {strides = array<i32>} : memref<16384xi32, #tpu.memory_space<vmem>>, vector<16xi32>,
      %parallel_loop3A_98 = vector.broadcast %select_n3A : i32 to vector<16xi32>
      %parallel_loop3A_99 = arith.subi %parallel_loop3A_97, %parallel_loop3A_98 : vector<16xi32>
      %parallel_loop3A_100 = vector.bitcast %parallel_loop3A_99 : vector<16xi32> to vector<16xi32>
      %parallel_loop3A_101 = vector.broadcast %select_n3A_12 : i32 to vector<16xi32>
      %parallel_loop3A_102 = arith.cmpi ult, %parallel_loop3A_100, %parallel_loop3A_101 : vector<16xi32>
      tpu.vector_store_idx %arg5[%parallel_loop3A_99], %broadcast_in_dim3A_18 masked %parallel_loop3A_102 : memref<40192xf32, #tpu.memory_space<vmem>>[vector<16xi32>], vector<16xf32>, vector<16xi1>
      %parallel_loop3A_103 = arith.constant 112 : i32
      %parallel_loop3A_104 = arith.addi %parallel_loop3A_39, %parallel_loop3A_103 : i32
      %parallel_loop3A_105 = arith.index_cast %parallel_loop3A_104 : i32 to index
      %parallel_loop3A_106 = tpu.vector_load %arg4[%parallel_loop3A_105] {strides = array<i32>} : memref<16384xi32, #tpu.memory_space<vmem>>, vector<16xi32>,
      %parallel_loop3A_107 = vector.broadcast %select_n3A : i32 to vector<16xi32>
      %parallel_loop3A_108 = arith.subi %parallel_loop3A_106, %parallel_loop3A_107 : vector<16xi32>
      %parallel_loop3A_109 = vector.bitcast %parallel_loop3A_108 : vector<16xi32> to vector<16xi32>
      %parallel_loop3A_110 = vector.broadcast %select_n3A_12 : i32 to vector<16xi32>
      %parallel_loop3A_111 = arith.cmpi ult, %parallel_loop3A_109, %parallel_loop3A_110 : vector<16xi32>
      tpu.vector_store_idx %arg5[%parallel_loop3A_108], %broadcast_in_dim3A_18 masked %parallel_loop3A_111 : memref<40192xf32, #tpu.memory_space<vmem>>[vector<16xi32>], vector<16xf32>, vector<16xi1>
    } {sc.loop_unroll_factor = 4 : i64, sc.parallel_access}
    %eq3A_22 = arith.constant 1 : i32
    %eq3A_23 = arith.cmpi eq, %arg0, %eq3A_22 : i32
    %convert_element_type3A = arith.extui %eq3A_23 : i1 to i32
    %cond3A = arith.constant 0 : i32
    %cond3A_24 = arith.cmpi ne, %convert_element_type3A, %cond3A : i32
    scf.if %cond3A_24 {
      "tpu.region"() ({
        %run_scoped3A = tpu.sem_alloc : memref<!tpu.dma_semaphore, #tpu.memory_space<semaphore_mem>>
        %dma_start3A = arith.constant 0 : i32
        %dma_start3A_39 = tpu.memref_slice %arg5[%dma_start3A] : memref<40192xf32, #tpu.memory_space<vmem>> -> memref<40000xf32, #tpu.memory_space<vmem>>
        %dma_start3A_40 = tpu.memref_slice %arg3[%select_n3A] : memref<1000000xf32, #tpu.memory_space<hbm>> -> memref<40000xf32, #tpu.memory_space<hbm>>
        %dma_start3A_41 = tpu.memref_slice %arg3[%select_n3A] : memref<1000000xf32, #tpu.memory_space<hbm>> -> memref<40000xf32, #tpu.memory_space<hbm>>
        %dma_start3A_42 = arith.constant 0 : i32
        %dma_start3A_43 = tpu.memref_slice %arg5[%dma_start3A_42] : memref<40192xf32, #tpu.memory_space<vmem>> -> memref<40000xf32, #tpu.memory_space<vmem>>
        tpu.enqueue_dma source(%dma_start3A_43 : memref<40000xf32, #tpu.memory_space<vmem>>) target(%dma_start3A_41 : memref<40000xf32, #tpu.memory_space<hbm>>) target_semaphore(%run_scoped3A : memref<!tpu.dma_semaphore, #tpu.memory_space<semaphore_mem>>)
        %dma_wait3A = arith.constant 0 : i32
        %dma_wait3A_44 = tpu.memref_slice %arg5[%dma_wait3A] : memref<40192xf32, #tpu.memory_space<vmem>> -> memref<40000xf32, #tpu.memory_space<vmem>>
        %dma_wait3A_45 = tpu.memref_slice %arg3[%select_n3A] : memref<1000000xf32, #tpu.memory_space<hbm>> -> memref<40000xf32, #tpu.memory_space<hbm>>
        %dma_wait3A_46 = tpu.memref_slice %arg3[%select_n3A] : memref<1000000xf32, #tpu.memory_space<hbm>> -> memref<40000xf32, #tpu.memory_space<hbm>>
        %dma_wait3A_47 = arith.constant 0 : i32
        %dma_wait3A_48 = tpu.memref_slice %arg5[%dma_wait3A_47] : memref<40192xf32, #tpu.memory_space<vmem>> -> memref<40000xf32, #tpu.memory_space<vmem>>
        tpu.wait_dma2 semaphore(%run_scoped3A : memref<!tpu.dma_semaphore, #tpu.memory_space<semaphore_mem>>) src(%dma_wait3A_48 : memref<40000xf32, #tpu.memory_space<vmem>>) dst(%dma_wait3A_46 : memref<40000xf32, #tpu.memory_space<hbm>>)
        tpu.yield
      }) : () -> ()
    } else {
    }
    %eq3A_25 = arith.constant 0 : i32
    %eq3A_26 = arith.cmpi eq, %arg0, %eq3A_25 : i32
    %lt3A = arith.constant 15 : i32
    %lt3A_27 = arith.cmpi slt, %arg1, %lt3A : i32
    %and3A = arith.andi %eq3A_26, %lt3A_27 : i1
    %convert_element_type3A_28 = arith.extui %and3A : i1 to i32
    %cond3A_29 = arith.constant 0 : i32
    %cond3A_30 = arith.cmpi ne, %convert_element_type3A_28, %cond3A_29 : i32
    scf.if %cond3A_30 {
      "tpu.region"() ({
        %run_scoped3A = tpu.sem_alloc : memref<!tpu.dma_semaphore, #tpu.memory_space<semaphore_mem>>
        %dma_start3A = arith.constant 0 : i32
        %dma_start3A_39 = tpu.memref_slice %arg5[%dma_start3A] : memref<40192xf32, #tpu.memory_space<vmem>> -> memref<22496xf32, #tpu.memory_space<vmem>>
        %dma_start3A_40 = tpu.memref_slice %arg3[%select_n3A] : memref<1000000xf32, #tpu.memory_space<hbm>> -> memref<22496xf32, #tpu.memory_space<hbm>>
        %dma_start3A_41 = tpu.memref_slice %arg3[%select_n3A] : memref<1000000xf32, #tpu.memory_space<hbm>> -> memref<22496xf32, #tpu.memory_space<hbm>>
        %dma_start3A_42 = arith.constant 0 : i32
        %dma_start3A_43 = tpu.memref_slice %arg5[%dma_start3A_42] : memref<40192xf32, #tpu.memory_space<vmem>> -> memref<22496xf32, #tpu.memory_space<vmem>>
        tpu.enqueue_dma source(%dma_start3A_43 : memref<22496xf32, #tpu.memory_space<vmem>>) target(%dma_start3A_41 : memref<22496xf32, #tpu.memory_space<hbm>>) target_semaphore(%run_scoped3A : memref<!tpu.dma_semaphore, #tpu.memory_space<semaphore_mem>>)
        %dma_wait3A = arith.constant 0 : i32
        %dma_wait3A_44 = tpu.memref_slice %arg5[%dma_wait3A] : memref<40192xf32, #tpu.memory_space<vmem>> -> memref<22496xf32, #tpu.memory_space<vmem>>
        %dma_wait3A_45 = tpu.memref_slice %arg3[%select_n3A] : memref<1000000xf32, #tpu.memory_space<hbm>> -> memref<22496xf32, #tpu.memory_space<hbm>>
        %dma_wait3A_46 = tpu.memref_slice %arg3[%select_n3A] : memref<1000000xf32, #tpu.memory_space<hbm>> -> memref<22496xf32, #tpu.memory_space<hbm>>
        %dma_wait3A_47 = arith.constant 0 : i32
        %dma_wait3A_48 = tpu.memref_slice %arg5[%dma_wait3A_47] : memref<40192xf32, #tpu.memory_space<vmem>> -> memref<22496xf32, #tpu.memory_space<vmem>>
        tpu.wait_dma2 semaphore(%run_scoped3A : memref<!tpu.dma_semaphore, #tpu.memory_space<semaphore_mem>>) src(%dma_wait3A_48 : memref<22496xf32, #tpu.memory_space<vmem>>) dst(%dma_wait3A_46 : memref<22496xf32, #tpu.memory_space<hbm>>)
        tpu.yield
      }) : () -> ()
    } else {
    }
    %eq3A_31 = arith.constant 0 : i32
    %eq3A_32 = arith.cmpi eq, %arg0, %eq3A_31 : i32
    %eq3A_33 = arith.constant 15 : i32
    %eq3A_34 = arith.cmpi eq, %arg1, %eq3A_33 : i32
    %and3A_35 = arith.andi %eq3A_32, %eq3A_34 : i1
    %convert_element_type3A_36 = arith.extui %and3A_35 : i1 to i32
    %cond3A_37 = arith.constant 0 : i32
    %cond3A_38 = arith.cmpi ne, %convert_element_type3A_36, %cond3A_37 : i32
    scf.if %cond3A_38 {
      "tpu.region"() ({
        %run_scoped3A = tpu.sem_alloc : memref<!tpu.dma_semaphore, #tpu.memory_space<semaphore_mem>>
        %dma_start3A = arith.constant 0 : i32
        %dma_start3A_39 = tpu.memref_slice %arg5[%dma_start3A] : memref<40192xf32, #tpu.memory_space<vmem>> -> memref<22560xf32, #tpu.memory_space<vmem>>
        %dma_start3A_40 = tpu.memref_slice %arg3[%select_n3A] : memref<1000000xf32, #tpu.memory_space<hbm>> -> memref<22560xf32, #tpu.memory_space<hbm>>
        %dma_start3A_41 = tpu.memref_slice %arg3[%select_n3A] : memref<1000000xf32, #tpu.memory_space<hbm>> -> memref<22560xf32, #tpu.memory_space<hbm>>
        %dma_start3A_42 = arith.constant 0 : i32
        %dma_start3A_43 = tpu.memref_slice %arg5[%dma_start3A_42] : memref<40192xf32, #tpu.memory_space<vmem>> -> memref<22560xf32, #tpu.memory_space<vmem>>
        tpu.enqueue_dma source(%dma_start3A_43 : memref<22560xf32, #tpu.memory_space<vmem>>) target(%dma_start3A_41 : memref<22560xf32, #tpu.memory_space<hbm>>) target_semaphore(%run_scoped3A : memref<!tpu.dma_semaphore, #tpu.memory_space<semaphore_mem>>)
        %dma_wait3A = arith.constant 0 : i32
        %dma_wait3A_44 = tpu.memref_slice %arg5[%dma_wait3A] : memref<40192xf32, #tpu.memory_space<vmem>> -> memref<22560xf32, #tpu.memory_space<vmem>>
        %dma_wait3A_45 = tpu.memref_slice %arg3[%select_n3A] : memref<1000000xf32, #tpu.memory_space<hbm>> -> memref<22560xf32, #tpu.memory_space<hbm>>
        %dma_wait3A_46 = tpu.memref_slice %arg3[%select_n3A] : memref<1000000xf32, #tpu.memory_space<hbm>> -> memref<22560xf32, #tpu.memory_space<hbm>>
        %dma_wait3A_47 = arith.constant 0 : i32
        %dma_wait3A_48 = tpu.memref_slice %arg5[%dma_wait3A_47] : memref<40192xf32, #tpu.memory_space<vmem>> -> memref<22560xf32, #tpu.memory_space<vmem>>
        tpu.wait_dma2 semaphore(%run_scoped3A : memref<!tpu.dma_semaphore, #tpu.memory_space<semaphore_mem>>) src(%dma_wait3A_48 : memref<22560xf32, #tpu.memory_space<vmem>>) dst(%dma_wait3A_46 : memref<22560xf32, #tpu.memory_space<hbm>>)
        tpu.yield
      }) : () -> ()
    } else {
    }
    return
  }
}

</mosaic_0001>

<sc_bundles>
// kernel: kernel.3.cloned.1.call-start
scs
__scs_entry_jumppad:
0x0: {  	(pc) =	sbr.rel $0x88, $3  }
0x1: {  	(tag) =	ssettag $0x0;
	lr =	simm.s32 $0x1  }
0x2: {  	[smem:$0x3FA0] =	sst lr;
	_ =	strace $0xD0000000  }
0x3: {  	_ = 	snop  }
0x4: {  	_ = 	snop  }
0x5: {  	_ = 	snop  }
0x6: {  	_ = 	snop  }
0x7: {  	_ = 	snop  }
__scs_overlays_trampoline_lowered:
0x8: {  	[smem:$0x3FAF] =	sst s0  }
0x9: {  	[smem:$0x3FB0] =	sst s1  }
0xa: {  	[smem:$0x3FB1] =	sst s2  }
0xb: {  	[smem:$0x3FB2] =	sst s3  }
0xc: {  	[smem:$0x3FB3] =	sst s4  }
0xd: {  	[smem:$0x3FB4] =	sst s5  }
0xe: {  	[smem:$0x3FB5] =	sst s6  }
0xf: {  	[smem:$0x3FB6] =	sst s7  }
0x10: {  	[smem:$0x3FB7] =	sst s8  }
0x11: {  	[smem:$0x3FB8] =	sst s9;
	s0 =	simm.s32 @!p0 $0x0  }
0x12: {  	s1 =	sld [smem:$0x3F9E];
	s0 =	simm.s32 @p0 $0x1  }
0x13: {  	[smem:$0x3FB9] =	sst s0;
	s0 =	simm.s32 @!p1 $0x0  }
0x14: {  	s2 =	sld [smem:$0x3F9D];
	s0 =	simm.s32 @p1 $0x1  }
0x15: {  	[smem:$0x3FBA] =	sst s0;
	s0 =	simm.s32 @!p2 $0x0  }
0x16: {  	s3 =	sld [smem:$0x3FDB];
	s0 =	simm.s32 @p2 $0x1  }
0x17: {  	s4 =	simm.s32 $0x1BF5;
	[smem:$0x3FBC] =	sst s0  }
0x18: {  	s0 =	sld [smem:$0x3F9F];
	_ =	swait.ge [sflag:s4], $0x0  }
0x19: {  	s7 =	sld [smem:$0x3FA0]  }
0x1a: {  	s8 =	sadd.s32 $0xFFFFE003, lr  }
0x1b: {  	s9 =	sadd.s32 $0xFFFFFEF7, lr;
	s5 =	simm.s32 $0xFFFFFFFF;
	p2 =	slt.u32 s8, $0xFFFFF086  }
0x1c: {  	p1 =	slt.u32 s9, $0xF7A;
	s5 =	simm.s32 @!p2 $0x0  }
0x1d: {  	s5 =	simm.s32 @p1 $0x1;
	p0 =	seq.s32 s7, s2  }
0x1e: {  	s7 =	smul.u32 @!p0 $0xF7A, s2;
	p2 =	seq.s32 @!p0 s5, $0x0  }
0x1f: {  	s9 =	smul.u32 $0xF7A, s1;
	s8 =	simm.s32 @!p0 $0x1BF5;
	p2 =	por !p2, p0  }
0x20: {  	[sflag:s8] =	ssyncset.s32 @!p0 $0xFFFFF086;
	s6 =	sadd.s32 @!p0 s3, s7;
	s7 =	simm.s32 @!p0 $0x108  }
0x21: {  	s3 =	sadd.s32 s3, s9;
	s6 =	sadd.s32 @!p0 $0x88, s6;
	s7 =	simm.s32 @p2 $0x1082  }
0x22: {  	[simem:s7], [sflag:s8] =	dma.local @!p0 [hbm:s6], $0xF7A  }
0x23: {  	s9 =	sor.u32 $0xD0000000, s2;
	s6 =	simm.s32 $0x108;
	_ =	swait.ge @!p0 [sflag:s8], $0x0  }
0x24: {  	s3 =	sadd.s32 $0x88, s3;
	s6 =	simm.s32 @!p1 $0x1082;
	[sflag:s4] =	ssyncset.s32 $0xFFFFF086  }
0x25: {  	[simem:s6], [sflag:s4] =	dma.local [hbm:s3], $0xF7A  }
0x26: {  	[smem:$0x3FA0] =	sst s1;
	(tag) =	ssettag s2;
	_ =	strace s9  }
0x27: {  	s1 =	sld [smem:$0x3FB0]  }
0x28: {  	s2 =	sld [smem:$0x3FB1]  }
0x29: {  	s4 =	sld [smem:$0x3FB3]  }
0x2a: {  	p0 =	seq.s32 s5, $0x0;
	s5 =	sld [smem:$0x3FB4]  }
0x2b: {  	s6 =	sld [smem:$0x3FB5]  }
0x2c: {  	s7 =	sld [smem:$0x3FB6]  }
0x2d: {  	s3 =	simm.s32 $0x108;
	s8 =	sld [smem:$0x3FB7]  }
0x2e: {  	s3 =	simm.s32 @!p0 $0x1082;
	s9 =	sld [smem:$0x3FB8]  }
0x2f: {  	lr =	sadd.s32 s0, s3;
	s0 =	sld [smem:$0x3FAF]  }
0x30: {  	s3 =	sld [smem:$0x3FB2]  }
0x31: {  	[smem:$0x3FBB] =	sst s10  }
0x32: {  	s10 =	sld [smem:$0x3FB9];
	_ =	sdelay $0x3  }
0x33: {  	p0 =	seq.s32 s10, $0x1;
	s10 =	sld [smem:$0x3FBB];
	_ =	sdelay $0x3  }
0x34: {  	[smem:$0x3FBB] =	sst s10  }
0x35: {  	s10 =	sld [smem:$0x3FBA];
	_ =	sdelay $0x3  }
0x36: {  	p1 =	seq.s32 s10, $0x1;
	s10 =	sld [smem:$0x3FBB];
	_ =	sdelay $0x3  }
0x37: {  	[smem:$0x3FBB] =	sst s10  }
0x38: {  	s10 =	sld [smem:$0x3FBC]  }
0x39: {  	_ = 	snop;
	(pc) =	sbr.ind lr, $3  }
0x3a: {  	_ = 	snop  }
0x3b: {  	_ = 	snop  }
0x3c: {  	p2 =	seq.s32 s10, $0x1;
	s10 =	sld [smem:$0x3FBB]  }
0x3d: {  	_ =	shalt  }
0x3e: {  	_ =	shalt  }
0x3f: {  	_ =	shalt  }
0x40: {  	_ =	shalt  }
0x41: {  	_ =	shalt  }
0x42: {  	_ =	shalt  }
0x43: {  	_ =	shalt  }
0x44: {  	_ =	shalt  }
0x45: {  	_ =	shalt  }
0x46: {  	_ =	shalt  }
0x47: {  	_ =	shalt  }
0x48: {  	_ =	shalt  }
0x49: {  	_ =	shalt  }
0x4a: {  	_ =	shalt  }
0x4b: {  	_ =	shalt  }
0x4c: {  	_ =	shalt  }
0x4d: {  	_ =	shalt  }
0x4e: {  	_ =	shalt  }
0x4f: {  	_ =	shalt  }
0x50: {  	_ =	shalt  }
0x51: {  	_ =	shalt  }
0x52: {  	_ =	shalt  }
0x53: {  	_ =	shalt  }
0x54: {  	_ =	shalt  }
0x55: {  	_ =	shalt  }
0x56: {  	_ =	shalt  }
0x57: {  	_ =	shalt  }
0x58: {  	_ =	shalt  }
0x59: {  	_ =	shalt  }
0x5a: {  	_ =	shalt  }
0x5b: {  	_ =	shalt  }
0x5c: {  	_ =	shalt  }
0x5d: {  	_ =	shalt  }
0x5e: {  	_ =	shalt  }
0x5f: {  	_ =	shalt  }
0x60: {  	_ =	shalt  }
0x61: {  	_ =	shalt  }
0x62: {  	_ =	shalt  }
0x63: {  	_ =	shalt  }
0x64: {  	_ =	shalt  }
0x65: {  	_ =	shalt  }
0x66: {  	_ =	shalt  }
0x67: {  	_ =	shalt  }
0x68: {  	_ =	shalt  }
0x69: {  	_ =	shalt  }
0x6a: {  	_ =	shalt  }
0x6b: {  	_ =	shalt  }
0x6c: {  	_ =	shalt  }
0x6d: {  	_ =	shalt  }
0x6e: {  	_ =	shalt  }
0x6f: {  	_ =	shalt  }
0x70: {  	_ =	shalt  }
0x71: {  	_ =	shalt  }
0x72: {  	_ =	shalt  }
0x73: {  	_ =	shalt  }
0x74: {  	_ =	shalt  }
0x75: {  	_ =	shalt  }
0x76: {  	_ =	shalt  }
0x77: {  	_ =	shalt  }
0x78: {  	_ =	shalt  }
0x79: {  	_ =	shalt  }
0x7a: {  	_ =	shalt  }
0x7b: {  	_ =	shalt  }
0x7c: {  	_ =	shalt  }
0x7d: {  	_ =	shalt  }
0x7e: {  	_ =	shalt  }
0x7f: {  	_ =	shalt  }
0x80: {  	_ =	shalt  }
0x81: {  	_ =	shalt  }
0x82: {  	_ =	shalt  }
0x83: {  	_ =	shalt  }
0x84: {  	_ =	shalt  }
0x85: {  	_ =	shalt  }
0x86: {  	_ =	shalt  }
0x87: {  	_ =	shalt  }
.Lfunc_end0:
.L_simem_size_0:
called_computation_lowered:
.L_overlay_start_0:
0x88: {  	s2 =	sld [smem:$0x3FD9]  }
0x89: {  	s3 =	sld [smem:$0x3FFE];
	_ =	sdelay $0x1  }
0x8a: {  	s1 =	srdreg.scid  }
0x8b: {  	s0 =	sand.u32 $0x1, s1  }
0x8c: {  	s18 =	sshll.u32 s0, $0xA;
	s2 =	sadd.s32 s3, s2  }
0x8d: {  	s2 =	sadd.s32 s2, s18  }
0x8e: {  	[smem:$0x3FC7] =	sst s2  }
0x8f: {  	_ = 	snop  }
0x90: {  	s2 =	sld [smem:$0x3FC9]  }
0x91: {  	s19 =	sld [smem:$0x3FD0];
	(tm) =	ssettm $0x1  }
0x92: {  	s4 =	sld [smem:$0x3FFB];
	_ =	sdelay $0x3  }
0x93: {  	_ =	strace s4  }
0x94: {  	s4 =	sld [smem:$0x3FFC];
	_ =	sdelay $0x3  }
0x95: {  	_ =	strace s4  }
0x96: {  	s4 =	sld [smem:$0x3FFD];
	_ =	sdelay $0x3  }
0x97: {  	_ =	strace s4  }
0x98: {  	_ =	strace $0x8FFFFFFF  }
0x99: {  	s20 =	sld [smem:$0x3FDB];
	_ =	sdelay $0x1  }
0x9a: {  	s5 =	simm.s32 $_scs_section_size  }
0x9b: {  	s6 =	simm.s32 $_size__tile_overlayer_lowered;
	s7 =	simm.s32 $_tile_overlayer_lowered  }
0x9c: {  	s23 =	simm.s32 $0x1BFF;
	s22 =	sshll.u32 s7, $0x1;
	s4 =	sadd.s32 s5, s20  }
0x9d: {  	s8 =	simm.s32 $0x0;
	s21 =	sshll.u32 s6, $0x1;
	s6 =	sadd.s32 s22, s4  }
0x9e: {  	[timem:s8], [sflag:s23] =	dma.local [hbm:s6], s21  }
0x9f: {  	_ =	swait.ge [sflag:s23], s21  }
0xa0: {  	s5 =	ssub.s32 $0x0, s21;
	[sflag:s23] =	ssyncset.done $0x0  }
0xa1: {  	[sflag:s23] =	ssyncadd.s32 s5;
	_ =	sdelay $0x1  }
0xa2: {  	s24 =	simm.s32 $0x1B8B  }
0xa3: {  	_ =	swait.ge [sflag:s24], $0x1  }
0xa4: {  	[sflag:s24] =	ssyncset.done $0x0  }
0xa5: {  	s25 =	simm.s32 $0x1B8E;
	[sflag:s24] =	ssyncadd.s32 $0xFFFFFFFF  }
0xa6: {  	s26 =	simm.s32 $execute0_lowered;
	[smem:$0x3FD2] =	sst s25  }
0xa7: {  	s5 =	sshll.u32 s26, $0x1;
	_ =	strace $0x80000046;
	[dreg:$0x1] =	wrdreg $0xFFFFFFFF  }
0xa8: {  	s28 =	simm.s32 $_size_execute0_lowered;
	s4 =	sadd.s32 s4, s5;
	[dreg:$0x0] =	wrdreg $0x0  }
0xa9: {  	s5 =	sshll.u32 s28, $0x1;
	[dreg:$0x2] =	wrdreg s4  }
0xaa: {  	[dreg:$0x3] =	wrdreg s5  }
0xab: {  	[dreg:$0x4] =	wrdreg $0xC0  }
0xac: {  	_ =	task [dreg:s8], $0x5FFFF  }
0xad: {  	[dreg:$0x1] =	wrdreg $0xFFFFFFFF  }
0xae: {  	[dreg:$0x0] =	wrdreg $0x60  }
0xaf: {  	[dreg:$0x2] =	wrdreg s2  }
0xb0: {  	[dreg:$0x3] =	wrdreg s19  }
0xb1: {  	[dreg:$0x4] =	wrdreg $0x9  }
0xb2: {  	_ =	task.clear_ibuf [dreg:s8], $0x5FFFF;
	_ =	strace $0x90000046  }
0xb3: {  	s29 =	simm.s32 $0x9;
	_ =	strace $0x80000048  }
0xb4: {  	_ =	swait.ge [sflag:s29], $0x1  }
0xb5: {  	[sflag:s29] =	ssyncadd.s32 $0xFFFFFFFF  }
0xb6: {  	_ =	strace $0x90000048  }
0xb7: {  	_ =	sfence  }
0xb8: {  	s30 =	sld [smem:$0x0];
	_ =	sdelay $0x2  }
0xb9: {  	s31 =	sshll.u32 s1, $0xD;
	s1 =	sshrl.u32 s1, $0x2  }
0xba: {  	s3 =	sand.u32 $0x4000, s31;
	s1 =	sadd.s32 s1, s30  }
0xbb: {  	s0 =	sor.u32 s3, s0;
	s1 =	sshll.u32 s1, $0x11  }
0xbc: {  	s0 =	sor.u32 s1, s0  }
0xbd: {  	s0 =	sadd.s32 $0x8F2B, s0  }
0xbe: {  	[sflag:s0] =	ssyncadd.remote.s32 $0x1  }
0xbf: {  	_ =	sfence.sel $0xFFFF  }
0xc0: {  	[dreg:$0x0] =	wrdreg $0xFFFFFFFF;
	(pc) =	sbr.abs _section_cstart, $3  }
0xc1: {  	[dreg:$0x1] =	wrdreg $0xFFFFFFFF  }
0xc2: {  	_ =	task.clear_ibuf [dreg:s8], $0x2FFFF;
	_ =	strace $0x9FFFFFFF  }
0xc3: {  	(tm) =	ssettm $0x7FFFFFFF  }
tec
execute0_lowered:
.L_overlay_start_1:
0x0: {  	(tag) =	ssettag $0x1  }
0x1: {  	s1 =	rddreg [dreg:$0x0]  }
0x2: {  	s6 =	rddreg [dreg:$0x1]  }
0x3: {  	s0 =	rddreg [dreg:$0x2]  }
0x4: {  	s3 =	simm.s32 $0x0;
	s4 =	srdreg.scid;
	s2 =	stileid.u32  }
0x5: {  	s10 =	simm.s32 $0x5820;
	[smem:$0x7FF] =	sst s3;
	s5 =	smul.u32 $0x57E0, s2  }
0x6: {  	s4 =	sand.u32 $0x1, s4;
	s8 =	smul.u32 $0x9C40, s2;
	p1 =	seq.s32 s2, $0xF  }
0x7: {  	_ =	strace $0x80000047;
	s7 =	ssub.s32 $0x2, s4;
	p0 =	seq.s32 s4, $0x0  }
0x8: {  	s10 =	simm.s32 @!p1 $0x57E0;
	s9 =	sshrl.u32 s7, $0x1;
	s5 =	sadd.s32 $0x9C400, s5  }
0x9: {  	s31 =	sshrl.u32 s8, $0x3;
	s10 =	simm.s32 @!p0 $0x9C40;
	p2 =	seq.s32 @p0 s2, $0xF  }
0xa: {  	s7 =	ssub.s32 s7, s9;
	s8 =	smov.u32 @p0 s5;
	s4 =	sadd.s32 s6, s31  }
0xb: {  	s5 =	sshrl.u32 s5, $0x3;
	s9 =	simm.s32 $0x4000;
	p1 =	por !p2, !p0  }
0xc: {  	v1 =	vmov s10;
	p2 =	por p2, !p0;
	s10 =	simm.s32 $0x0;
	s5 =	sadd.s32 s6, s5  }
0xd: {  	v2 =	vimm.f32 $0.0e+00;
	v3 =	vimm.f32 $1.000000000e+00;
	s6 =	sadd.s32 $0x1DD44, s6;
	s7 =	smax.u32 s7, $0x1;
	v0 =	vmov s8;
	s8 =	simm.s32 $0x1  }
.LBB2_1:
0xe: {  	[tilespmem:s3], [sflag:$0x1] =	stream.linear.gather [hbm4b:s1+s3], $0x4000, $0x38;
	[tilespmem:$0xDD00] =	vst v63  }
0xf: {  	s11 =	simm.s32 $0x4100  }
0x10: {  	[tilespmem:s11+$0xFFFFFF00] =	vst v2  }
0x11: {  	[tilespmem:s11+$0xF0] =	vst v2  }
0x12: {  	[tilespmem:s11+$0xE0] =	vst v2  }
0x13: {  	[tilespmem:s11+$0xD0] =	vst v2  }
0x14: {  	[tilespmem:s11+$0xC0] =	vst v2  }
0x15: {  	[tilespmem:s11+$0xB0] =	vst v2  }
0x16: {  	[tilespmem:s11+$0xA0] =	vst v2  }
0x17: {  	[tilespmem:s11+$0x90] =	vst v2  }
0x18: {  	[tilespmem:s11+$0x80] =	vst v2  }
0x19: {  	[tilespmem:s11+$0x70] =	vst v2  }
0x1a: {  	[tilespmem:s11+$0x60] =	vst v2  }
0x1b: {  	[tilespmem:s11+$0x50] =	vst v2  }
0x1c: {  	[tilespmem:s11+$0x40] =	vst v2  }
0x1d: {  	[tilespmem:s11+$0x30] =	vst v2  }
0x1e: {  	[tilespmem:s11+$0x20] =	vst v2  }
0x1f: {  	[tilespmem:s11+$0x10] =	vst v2  }
0x20: {  	[tilespmem:s11+$0x0] =	vst v2  }
0x21: {  	[tilespmem:s11+$0xFFFFFFF0] =	vst v2  }
0x22: {  	[tilespmem:s11+$0xFFFFFFE0] =	vst v2  }
0x23: {  	[tilespmem:s11+$0xFFFFFFD0] =	vst v2  }
0x24: {  	[tilespmem:s11+$0xFFFFFFC0] =	vst v2  }
0x25: {  	[tilespmem:s11+$0xFFFFFFB0] =	vst v2  }
0x26: {  	[tilespmem:s11+$0xFFFFFFA0] =	vst v2  }
0x27: {  	[tilespmem:s11+$0xFFFFFF90] =	vst v2  }
0x28: {  	[tilespmem:s11+$0xFFFFFF80] =	vst v2  }
0x29: {  	[tilespmem:s11+$0xFFFFFF70] =	vst v2  }
0x2a: {  	[tilespmem:s11+$0xFFFFFF60] =	vst v2  }
0x2b: {  	[tilespmem:s11+$0xFFFFFF50] =	vst v2  }
0x2c: {  	[tilespmem:s11+$0xFFFFFF40] =	vst v2  }
0x2d: {  	[tilespmem:s11+$0xFFFFFF30] =	vst v2  }
0x2e: {  	s12 =	simm.s32 $0x0;
	[tilespmem:s11+$0xFFFFFF20] =	vst v2  }
.LBB2_2:
0x2f: {  	s12 =	sadd.s32 $0x200, s12;
	[tilespmem:s11+$0xFFFFFF10] =	vst v2;
	s11 =	sadd.s32 $0x200, s11  }
0x30: {  	[tilespmem:s11+$0xFFFFFF00] =	vst v2;
	p3 =	slt.u32 s12, $0x9A00  }
0x31: {  	[tilespmem:s11+$0xF0] =	vst v2  }
0x32: {  	[tilespmem:s11+$0xE0] =	vst v2  }
0x33: {  	[tilespmem:s11+$0xD0] =	vst v2  }
0x34: {  	[tilespmem:s11+$0xC0] =	vst v2  }
0x35: {  	[tilespmem:s11+$0xB0] =	vst v2  }
0x36: {  	[tilespmem:s11+$0xA0] =	vst v2  }
0x37: {  	[tilespmem:s11+$0x90] =	vst v2  }
0x38: {  	[tilespmem:s11+$0x80] =	vst v2  }
0x39: {  	[tilespmem:s11+$0x70] =	vst v2  }
0x3a: {  	[tilespmem:s11+$0x60] =	vst v2  }
0x3b: {  	[tilespmem:s11+$0x50] =	vst v2  }
0x3c: {  	[tilespmem:s11+$0x40] =	vst v2  }
0x3d: {  	[tilespmem:s11+$0x30] =	vst v2  }
0x3e: {  	[tilespmem:s11+$0x20] =	vst v2  }
0x3f: {  	[tilespmem:s11+$0x10] =	vst v2  }
0x40: {  	[tilespmem:s11+$0x0] =	vst v2  }
0x41: {  	[tilespmem:s11+$0xFFFFFFF0] =	vst v2  }
0x42: {  	[tilespmem:s11+$0xFFFFFFE0] =	vst v2  }
0x43: {  	[tilespmem:s11+$0xFFFFFFD0] =	vst v2  }
0x44: {  	[tilespmem:s11+$0xFFFFFFC0] =	vst v2  }
0x45: {  	[tilespmem:s11+$0xFFFFFFB0] =	vst v2  }
0x46: {  	[tilespmem:s11+$0xFFFFFFA0] =	vst v2  }
0x47: {  	[tilespmem:s11+$0xFFFFFF90] =	vst v2  }
0x48: {  	[tilespmem:s11+$0xFFFFFF80] =	vst v2  }
0x49: {  	[tilespmem:s11+$0xFFFFFF70] =	vst v2  }
.Ltmp0:
0x4a: {  	[tilespmem:s11+$0xFFFFFF60] =	vst v2;
	(pc) =	sbr.rel @p3 .LBB2_2-.Ltmp0, $4  }
0x4b: {  	[tilespmem:s11+$0xFFFFFF50] =	vst v2  }
0x4c: {  	[tilespmem:s11+$0xFFFFFF40] =	vst v2  }
0x4d: {  	[tilespmem:s11+$0xFFFFFF30] =	vst v2  }
0x4e: {  	[tilespmem:s11+$0xFFFFFF20] =	vst v2  }
0x4f: {  	[tilespmem:s11+$0xFFFFFF10] =	vst v2  }
0x50: {  	[tilespmem:$0xDC00] =	vst v2  }
0x51: {  	[tilespmem:$0xDC10] =	vst v2  }
0x52: {  	[tilespmem:$0xDC20] =	vst v2  }
0x53: {  	[tilespmem:$0xDC30] =	vst v2  }
0x54: {  	[tilespmem:$0xDC40] =	vst v2  }
0x55: {  	[tilespmem:$0xDC50] =	vst v2  }
0x56: {  	[tilespmem:$0xDC60] =	vst v2  }
0x57: {  	[tilespmem:$0xDC70] =	vst v2  }
0x58: {  	[tilespmem:$0xDC80] =	vst v2  }
0x59: {  	[tilespmem:$0xDC90] =	vst v2  }
0x5a: {  	[tilespmem:$0xDCA0] =	vst v2  }
0x5b: {  	[tilespmem:$0xDCB0] =	vst v2  }
0x5c: {  	[tilespmem:$0xDCC0] =	vst v2  }
0x5d: {  	[tilespmem:$0xDCD0] =	vst v2  }
0x5e: {  	[tilespmem:$0xDCE0] =	vst v2  }
0x5f: {  	[tilespmem:$0xDCF0] =	vst v2  }
0x60: {  	_ =	swait.ge [sflag:s8], $0x4000  }
0x61: {  	[sflag:s8] =	ssyncset.done $0x0  }
0x62: {  	s14 =	simm.s32 $0x100;
	[sflag:s8] =	ssyncadd.s32 $0xFFFFC000  }
0x63: {  	v4 =	vld [tilespmem:s14+$0x80]  }
0x64: {  	v5 =	vld [tilespmem:s14+$0xFFFFFF00];
	_ =	sdelay $0x3  }
0x65: {  	v4 =	vsub.s32 v4, v0  }
0x66: {  	v6 =	vld [tilespmem:s14+$0xFFFFFF80];
	v5 =	vsub.s32 v5, v0;
	vm0 =	vlt.u32 v4, v1  }
0x67: {  	vm1 =	vlt.u32 v5, v1  }
0x68: {  	v7 =	vld [tilespmem:s14+$0x0];
	_ =	sdelay $0x2  }
0x69: {  	v6 =	vsub.s32 v6, v0  }
0x6a: {  	[tilespmem:v4+s9+$0x0] =	vst.idx.msk vm0, v3;
	vm0 =	vlt.u32 v6, v1  }
0x6b: {  	v4 =	vsub.s32 v7, v0;
	[tilespmem:v5+s9+$0x0] =	vst.idx.msk vm1, v3;
	v7 =	vld [tilespmem:s14+$0x90]  }
0x6c: {  	vm2 =	vlt.u32 v4, v1;
	v5 =	vld [tilespmem:s14+$0xFFFFFF10];
	_ =	sdelay $0x3  }
0x6d: {  	v7 =	vsub.s32 v7, v0;
	[tilespmem:v6+s9+$0x0] =	vst.idx.msk vm0, v3  }
0x6e: {  	v5 =	vsub.s32 v5, v0;
	vm0 =	vlt.u32 v7, v1;
	v6 =	vld [tilespmem:s14+$0xFFFFFF90]  }
0x6f: {  	[tilespmem:v4+s9+$0x0] =	vst.idx.msk vm2, v3;
	vm1 =	vlt.u32 v5, v1  }
0x70: {  	v4 =	vld [tilespmem:s14+$0x10];
	_ =	sdelay $0x2  }
0x71: {  	v6 =	vsub.s32 v6, v0  }
0x72: {  	[tilespmem:v7+s9+$0x0] =	vst.idx.msk vm0, v3;
	vm0 =	vlt.u32 v6, v1  }
0x73: {  	v4 =	vsub.s32 v4, v0;
	[tilespmem:v5+s9+$0x0] =	vst.idx.msk vm1, v3;
	v7 =	vld [tilespmem:s14+$0xA0]  }
0x74: {  	vm2 =	vlt.u32 v4, v1;
	v5 =	vld [tilespmem:s14+$0xFFFFFF20];
	_ =	sdelay $0x1  }
0x75: {  	s11 =	simm.s32 $0x300  }
0x76: {  	v10 =	vld [tilespmem:s11+$0xFFFFFF00]  }
0x77: {  	v7 =	vsub.s32 v7, v0;
	[tilespmem:v6+s9+$0x0] =	vst.idx.msk vm0, v3;
	v6 =	vld [tilespmem:s11+$0x80]  }
0x78: {  	v5 =	vsub.s32 v5, v0;
	vm0 =	vlt.u32 v7, v1;
	v8 =	vld [tilespmem:s14+$0xFFFFFFA0]  }
0x79: {  	v11 =	vld [tilespmem:s11+$0x0];
	[tilespmem:v4+s9+$0x0] =	vst.idx.msk vm2, v3;
	vm1 =	vlt.u32 v5, v1  }
0x7a: {  	v4 =	vld [tilespmem:s14+$0x20]  }
0x7b: {  	v10 =	vsub.s32 v10, v0  }
0x7c: {  	v9 =	vld [tilespmem:s11+$0xFFFFFF80];
	vm5 =	vlt.u32 v10, v1;
	v6 =	vsub.s32 v6, v0  }
0x7d: {  	v8 =	vsub.s32 v8, v0;
	vm2 =	vlt.u32 v6, v1  }
0x7e: {  	v11 =	vsub.s32 v11, v0;
	[tilespmem:v7+s9+$0x0] =	vst.idx.msk vm0, v3;
	vm0 =	vlt.u32 v8, v1  }
0x7f: {  	v4 =	vsub.s32 v4, v0;
	[tilespmem:v5+s9+$0x0] =	vst.idx.msk vm1, v3;
	vm1 =	vlt.u32 v11, v1;
	v7 =	vld [tilespmem:s14+$0xB0]  }
0x80: {  	vm3 =	vlt.u32 v4, v1;
	v5 =	vld [tilespmem:s14+$0xFFFFFF30]  }
0x81: {  	v9 =	vsub.s32 v9, v0  }
0x82: {  	vm4 =	vlt.u32 v9, v1;
	[tilespmem:v10+s9+$0x0] =	vst.idx.msk vm5, v3  }
0x83: {  	v10 =	vld [tilespmem:s11+$0xFFFFFF10];
	[tilespmem:v6+s9+$0x0] =	vst.idx.msk vm2, v3  }
0x84: {  	v6 =	vsub.s32 v7, v0;
	[tilespmem:v8+s9+$0x0] =	vst.idx.msk vm0, v3;
	v7 =	vld [tilespmem:s11+$0x90]  }
0x85: {  	v5 =	vsub.s32 v5, v0;
	[tilespmem:v11+s9+$0x0] =	vst.idx.msk vm1, v3;
	vm0 =	vlt.u32 v6, v1;
	v8 =	vld [tilespmem:s14+$0xFFFFFFB0]  }
0x86: {  	[tilespmem:v4+s9+$0x0] =	vst.idx.msk vm3, v3;
	vm1 =	vlt.u32 v5, v1;
	v11 =	vld [tilespmem:s11+$0x10]  }
0x87: {  	v4 =	vld [tilespmem:s14+$0x30]  }
0x88: {  	[tilespmem:v9+s9+$0x0] =	vst.idx.msk vm4, v3;
	v10 =	vsub.s32 v10, v0  }
0x89: {  	v9 =	vld [tilespmem:s11+$0xFFFFFF90];
	vm5 =	vlt.u32 v10, v1;
	v7 =	vsub.s32 v7, v0  }
0x8a: {  	v8 =	vsub.s32 v8, v0;
	vm2 =	vlt.u32 v7, v1  }
0x8b: {  	v11 =	vsub.s32 v11, v0;
	[tilespmem:v6+s9+$0x0] =	vst.idx.msk vm0, v3;
	vm0 =	vlt.u32 v8, v1  }
0x8c: {  	v4 =	vsub.s32 v4, v0;
	[tilespmem:v5+s9+$0x0] =	vst.idx.msk vm1, v3;
	vm1 =	vlt.u32 v11, v1;
	v6 =	vld [tilespmem:s14+$0xC0]  }
0x8d: {  	vm3 =	vlt.u32 v4, v1;
	v5 =	vld [tilespmem:s14+$0xFFFFFF40]  }
0x8e: {  	v9 =	vsub.s32 v9, v0  }
0x8f: {  	vm4 =	vlt.u32 v9, v1;
	[tilespmem:v10+s9+$0x0] =	vst.idx.msk vm5, v3  }
0x90: {  	v10 =	vld [tilespmem:s11+$0xFFFFFF20];
	[tilespmem:v7+s9+$0x0] =	vst.idx.msk vm2, v3  }
0x91: {  	v6 =	vsub.s32 v6, v0;
	[tilespmem:v8+s9+$0x0] =	vst.idx.msk vm0, v3;
	v7 =	vld [tilespmem:s11+$0xA0]  }
0x92: {  	v5 =	vsub.s32 v5, v0;
	[tilespmem:v11+s9+$0x0] =	vst.idx.msk vm1, v3;
	vm0 =	vlt.u32 v6, v1;
	v8 =	vld [tilespmem:s14+$0xFFFFFFC0]  }
0x93: {  	[tilespmem:v4+s9+$0x0] =	vst.idx.msk vm3, v3;
	vm1 =	vlt.u32 v5, v1;
	v11 =	vld [tilespmem:s11+$0x20]  }
0x94: {  	s12 =	simm.s32 $0x500;
	v4 =	vld [tilespmem:s14+$0x40]  }
0x95: {  	v12 =	vld [tilespmem:s12+$0x80];
	[tilespmem:v9+s9+$0x0] =	vst.idx.msk vm4, v3;
	v10 =	vsub.s32 v10, v0  }
0x96: {  	v9 =	vld [tilespmem:s11+$0xFFFFFFA0];
	vm5 =	vlt.u32 v10, v1;
	v7 =	vsub.s32 v7, v0  }
0x97: {  	v8 =	vsub.s32 v8, v0;
	vm2 =	vlt.u32 v7, v1  }
0x98: {  	v11 =	vsub.s32 v11, v0;
	[tilespmem:v6+s9+$0x0] =	vst.idx.msk vm0, v3;
	vm0 =	vlt.u32 v8, v1  }
0x99: {  	v13 =	vld [tilespmem:s12+$0xFFFFFF80];
	v4 =	vsub.s32 v4, v0;
	[tilespmem:v5+s9+$0x0] =	vst.idx.msk vm1, v3;
	vm1 =	vlt.u32 v11, v1  }
0x9a: {  	v6 =	vld [tilespmem:s14+$0xD0];
	vm3 =	vlt.u32 v4, v1  }
0x9b: {  	v9 =	vsub.s32 v9, v0;
	v5 =	vsub.s32 v12, v0;
	v12 =	vld [tilespmem:s14+$0xFFFFFF50]  }
0x9c: {  	vm4 =	vlt.u32 v9, v1;
	[tilespmem:v10+s9+$0x0] =	vst.idx.msk vm5, v3  }
0x9d: {  	v14 =	vld [tilespmem:s12+$0x0];
	[tilespmem:v7+s9+$0x0] =	vst.idx.msk vm2, v3  }
0x9e: {  	v15 =	vld [tilespmem:s12+$0xFFFFFF00];
	vm6 =	vlt.u32 v5, v1;
	v7 =	vsub.s32 v13, v0;
	[tilespmem:v8+s9+$0x0] =	vst.idx.msk vm0, v3  }
0x9f: {  	v6 =	vsub.s32 v6, v0;
	v8 =	vld [tilespmem:s11+$0xB0];
	vm2 =	vlt.u32 v7, v1;
	[tilespmem:v11+s9+$0x0] =	vst.idx.msk vm1, v3  }
0xa0: {  	v10 =	vsub.s32 v12, v0;
	vm0 =	vlt.u32 v6, v1;
	[tilespmem:v4+s9+$0x0] =	vst.idx.msk vm3, v3;
	v4 =	vld [tilespmem:s14+$0xFFFFFFD0]  }
0xa1: {  	vm1 =	vlt.u32 v10, v1;
	v12 =	vld [tilespmem:s11+$0x30]  }
0xa2: {  	[tilespmem:v9+s9+$0x0] =	vst.idx.msk vm4, v3;
	v13 =	vsub.s32 v14, v0;
	v9 =	vld [tilespmem:s14+$0x50]  }
0xa3: {  	v14 =	vsub.s32 v15, v0;
	v15 =	vld [tilespmem:s11+$0xFFFFFFB0];
	vm3 =	vlt.u32 v13, v1  }
0xa4: {  	vm4 =	vlt.u32 v14, v1;
	[tilespmem:v5+s9+$0x0] =	vst.idx.msk vm6, v3;
	v5 =	vsub.s32 v8, v0  }
0xa5: {  	v11 =	vld [tilespmem:s11+$0xFFFFFF30];
	v4 =	vsub.s32 v4, v0;
	vm5 =	vlt.u32 v5, v1;
	[tilespmem:v7+s9+$0x0] =	vst.idx.msk vm2, v3  }
0xa6: {  	v8 =	vld [tilespmem:s12+$0x90];
	v12 =	vsub.s32 v12, v0;
	[tilespmem:v6+s9+$0x0] =	vst.idx.msk vm0, v3;
	vm0 =	vlt.u32 v4, v1  }
0xa7: {  	v6 =	vsub.s32 v9, v0;
	[tilespmem:v10+s9+$0x0] =	vst.idx.msk vm1, v3;
	vm1 =	vlt.u32 v12, v1;
	v7 =	vld [tilespmem:s14+$0xE0]  }
0xa8: {  	v9 =	vsub.s32 v15, v0;
	v15 =	vld [tilespmem:s12+$0xFFFFFF90];
	vm2 =	vlt.u32 v6, v1  }
0xa9: {  	[tilespmem:v13+s9+$0x0] =	vst.idx.msk vm3, v3;
	v10 =	vld [tilespmem:s14+$0xFFFFFF60]  }
0xaa: {  	v11 =	vsub.s32 v11, v0;
	[tilespmem:v14+s9+$0x0] =	vst.idx.msk vm4, v3;
	vm3 =	vlt.u32 v9, v1;
	v13 =	vld [tilespmem:s12+$0x10]  }
0xab: {  	vm4 =	vlt.u32 v11, v1;
	v14 =	vld [tilespmem:s12+$0xFFFFFF10];
	v8 =	vsub.s32 v8, v0;
	[tilespmem:v5+s9+$0x0] =	vst.idx.msk vm5, v3  }
0xac: {  	vm6 =	vlt.u32 v8, v1;
	v5 =	vsub.s32 v7, v0;
	[tilespmem:v4+s9+$0x0] =	vst.idx.msk vm0, v3  }
0xad: {  	v4 =	vsub.s32 v15, v0;
	v7 =	vld [tilespmem:s11+$0xC0];
	[tilespmem:v12+s9+$0x0] =	vst.idx.msk vm1, v3;
	vm0 =	vlt.u32 v5, v1  }
0xae: {  	v10 =	vsub.s32 v10, v0;
	v15 =	vld [tilespmem:s14+$0xFFFFFFE0];
	[tilespmem:v6+s9+$0x0] =	vst.idx.msk vm2, v3;
	vm2 =	vlt.u32 v4, v1  }
0xaf: {  	v6 =	vsub.s32 v13, v0;
	vm1 =	vlt.u32 v10, v1;
	v12 =	vld [tilespmem:s11+$0x40]  }
0xb0: {  	[tilespmem:v9+s9+$0x0] =	vst.idx.msk vm3, v3;
	v13 =	vsub.s32 v14, v0;
	v9 =	vld [tilespmem:s14+$0x60];
	vm3 =	vlt.u32 v6, v1  }
0xb1: {  	[tilespmem:v11+s9+$0x0] =	vst.idx.msk vm4, v3;
	v14 =	vld [tilespmem:s11+$0xFFFFFFC0];
	vm5 =	vlt.u32 v13, v1  }
0xb2: {  	v11 =	vld [tilespmem:s11+$0xFFFFFF40];
	[tilespmem:v8+s9+$0x0] =	vst.idx.msk vm6, v3;
	v7 =	vsub.s32 v7, v0  }
0xb3: {  	v8 =	vsub.s32 v15, v0;
	vm4 =	vlt.u32 v7, v1;
	[tilespmem:v5+s9+$0x0] =	vst.idx.msk vm0, v3  }
0xb4: {  	v15 =	vld [tilespmem:s12+$0xA0];
	v12 =	vsub.s32 v12, v0;
	vm0 =	vlt.u32 v8, v1;
	[tilespmem:v4+s9+$0x0] =	vst.idx.msk vm2, v3  }
0xb5: {  	v5 =	vsub.s32 v9, v0;
	[tilespmem:v10+s9+$0x0] =	vst.idx.msk vm1, v3;
	vm1 =	vlt.u32 v12, v1;
	v4 =	vld [tilespmem:s14+$0xF0]  }
0xb6: {  	v9 =	vsub.s32 v14, v0;
	vm2 =	vlt.u32 v5, v1;
	v14 =	vld [tilespmem:s12+$0xFFFFFFA0];
	[tilespmem:v6+s9+$0x0] =	vst.idx.msk vm3, v3  }
0xb7: {  	v11 =	vsub.s32 v11, v0;
	vm3 =	vlt.u32 v9, v1;
	[tilespmem:v13+s9+$0x0] =	vst.idx.msk vm5, v3;
	v6 =	vld [tilespmem:s12+$0x20]  }
0xb8: {  	s13 =	simm.s32 $0x700;
	vm5 =	vlt.u32 v11, v1;
	v13 =	vld [tilespmem:s12+$0xFFFFFF20]  }
0xb9: {  	v16 =	vld [tilespmem:s13+$0x80];
	v10 =	vsub.s32 v15, v0;
	[tilespmem:v7+s9+$0x0] =	vst.idx.msk vm4, v3  }
0xba: {  	v15 =	vld [tilespmem:s14+$0xFFFFFF70];
	vm6 =	vlt.u32 v10, v1;
	v4 =	vsub.s32 v4, v0;
	[tilespmem:v8+s9+$0x0] =	vst.idx.msk vm0, v3  }
0xbb: {  	v7 =	vsub.s32 v14, v0;
	v8 =	vld [tilespmem:s11+$0xD0];
	[tilespmem:v12+s9+$0x0] =	vst.idx.msk vm1, v3;
	vm0 =	vlt.u32 v4, v1  }
0xbc: {  	[tilespmem:v5+s9+$0x0] =	vst.idx.msk vm2, v3;
	v5 =	vld [tilespmem:s13+$0xFFFFFF80];
	vm2 =	vlt.u32 v7, v1;
	v6 =	vsub.s32 v6, v0  }
0xbd: {  	[tilespmem:v9+s9+$0x0] =	vst.idx.msk vm3, v3;
	v9 =	vld [tilespmem:s13+$0x0];
	v13 =	vsub.s32 v13, v0;
	vm3 =	vlt.u32 v6, v1  }
0xbe: {  	v14 =	vld [tilespmem:s13+$0xFFFFFF00];
	v12 =	vsub.s32 v16, v0;
	[tilespmem:v11+s9+$0x0] =	vst.idx.msk vm5, v3;
	vm4 =	vlt.u32 v13, v1  }
0xbf: {  	vm5 =	vlt.u32 v12, v1;
	v11 =	vsub.s32 v15, v0;
	v15 =	vld [tilespmem:s11+$0xFFFFFF50]  }
0xc0: {  	vm1 =	vlt.u32 v11, v1;
	[tilespmem:v10+s9+$0x0] =	vst.idx.msk vm6, v3;
	v10 =	vld [tilespmem:s11+$0xFFFFFFD0];
	v8 =	vsub.s32 v8, v0  }
0xc1: {  	v5 =	vsub.s32 v5, v0;
	v16 =	vld [tilespmem:s12+$0xB0];
	vm6 =	vlt.u32 v8, v1;
	[tilespmem:v4+s9+$0x0] =	vst.idx.msk vm0, v3  }
0xc2: {  	vm0 =	vlt.u32 v5, v1;
	v4 =	vsub.s32 v9, v0;
	[tilespmem:v7+s9+$0x0] =	vst.idx.msk vm2, v3;
	v7 =	vld [tilespmem:s11+$0x50]  }
0xc3: {  	v9 =	vsub.s32 v14, v0;
	vm2 =	vlt.u32 v4, v1;
	v14 =	vld [tilespmem:s12+$0xFFFFFFB0];
	[tilespmem:v6+s9+$0x0] =	vst.idx.msk vm3, v3  }
0xc4: {  	vm3 =	vlt.u32 v9, v1;
	[tilespmem:v13+s9+$0x0] =	vst.idx.msk vm4, v3;
	v13 =	vsub.s32 v15, v0;
	v6 =	vld [tilespmem:s12+$0x30]  }
0xc5: {  	[tilespmem:v12+s9+$0x0] =	vst.idx.msk vm5, v3;
	v15 =	vld [tilespmem:s12+$0xFFFFFF30];
	vm4 =	vlt.u32 v13, v1;
	v10 =	vsub.s32 v10, v0  }
0xc6: {  	v12 =	vld [tilespmem:s14+$0xFFFFFFF0];
	[tilespmem:v11+s9+$0x0] =	vst.idx.msk vm1, v3;
	v11 =	vsub.s32 v16, v0;
	vm1 =	vlt.u32 v10, v1  }
0xc7: {  	v16 =	vld [tilespmem:s13+$0x90];
	vm5 =	vlt.u32 v11, v1;
	v7 =	vsub.s32 v7, v0;
	[tilespmem:v8+s9+$0x0] =	vst.idx.msk vm6, v3  }
0xc8: {  	[tilespmem:v5+s9+$0x0] =	vst.idx.msk vm0, v3;
	v5 =	vsub.s32 v14, v0;
	vm0 =	vlt.u32 v7, v1;
	v8 =	vld [tilespmem:s11+$0xE0]  }
0xc9: {  	v14 =	vld [tilespmem:s13+$0xFFFFFF90];
	[tilespmem:v4+s9+$0x0] =	vst.idx.msk vm2, v3;
	vm2 =	vlt.u32 v5, v1;
	v4 =	vsub.s32 v6, v0  }
0xca: {  	[tilespmem:v9+s9+$0x0] =	vst.idx.msk vm3, v3;
	v9 =	vsub.s32 v15, v0;
	v6 =	vld [tilespmem:s13+$0x10];
	vm3 =	vlt.u32 v4, v1  }
0xcb: {  	v12 =	vsub.s32 v12, v0;
	v15 =	vld [tilespmem:s13+$0xFFFFFF10];
	vm6 =	vlt.u32 v9, v1;
	[tilespmem:v13+s9+$0x0] =	vst.idx.msk vm4, v3  }
0xcc: {  	v13 =	vsub.s32 v16, v0;
	v16 =	vld [tilespmem:s11+$0xFFFFFF60];
	[tilespmem:v10+s9+$0x0] =	vst.idx.msk vm1, v3;
	vm1 =	vlt.u32 v12, v1  }
0xcd: {  	vm4 =	vlt.u32 v13, v1;
	[tilespmem:v11+s9+$0x0] =	vst.idx.msk vm5, v3;
	v10 =	vld [tilespmem:s11+$0xFFFFFFE0];
	v11 =	vsub.s32 v8, v0  }
0xce: {  	v14 =	vsub.s32 v14, v0;
	v8 =	vld [tilespmem:s12+$0xC0];
	[tilespmem:v7+s9+$0x0] =	vst.idx.msk vm0, v3;
	vm0 =	vlt.u32 v11, v1  }
0xcf: {  	vm5 =	vlt.u32 v14, v1;
	v7 =	vsub.s32 v6, v0;
	[tilespmem:v5+s9+$0x0] =	vst.idx.msk vm2, v3;
	v5 =	vld [tilespmem:s11+$0x60]  }
0xd0: {  	v15 =	vsub.s32 v15, v0;
	vm7 =	vlt.u32 v7, v1;
	v6 =	vld [tilespmem:s12+$0xFFFFFFC0];
	[tilespmem:v4+s9+$0x0] =	vst.idx.msk vm3, v3  }
0xd1: {  	vm8 =	vlt.u32 v15, v1;
	[tilespmem:v9+s9+$0x0] =	vst.idx.msk vm6, v3;
	v16 =	vsub.s32 v16, v0;
	v4 =	vld [tilespmem:s12+$0x40]  }
0xd2: {  	v17 =	vld [tilespmem:s12+$0xFFFFFF40];
	vm6 =	vlt.u32 v16, v1;
	v18 =	vsub.s32 v10, v0;
	[tilespmem:v12+s9+$0x0] =	vst.idx.msk vm1, v3  }
0xd3: {  	[tilespmem:v13+s9+$0x0] =	vst.idx.msk vm4, v3;
	v12 =	vld [tilespmem:s14+$0x70];
	v8 =	vsub.s32 v8, v0;
	vm9 =	vlt.u32 v18, v1  }
0xd4: {  	v19 =	vld [tilespmem:s13+$0xA0];
	vm2 =	vlt.u32 v8, v1;
	v5 =	vsub.s32 v5, v0;
	[tilespmem:v11+s9+$0x0] =	vst.idx.msk vm0, v3  }
0xd5: {  	[tilespmem:v14+s9+$0x0] =	vst.idx.msk vm5, v3;
	v9 =	vsub.s32 v6, v0;
	vm1 =	vlt.u32 v5, v1;
	v6 =	vld [tilespmem:s11+$0xF0]  }
0xd6: {  	v13 =	vld [tilespmem:s13+$0xFFFFFFA0];
	[tilespmem:v7+s9+$0x0] =	vst.idx.msk vm7, v3;
	vm3 =	vlt.u32 v9, v1;
	v10 =	vsub.s32 v4, v0  }
0xd7: {  	[tilespmem:v15+s9+$0x0] =	vst.idx.msk vm8, v3;
	v11 =	vsub.s32 v17, v0;
	v14 =	vld [tilespmem:s13+$0x20];
	vm4 =	vlt.u32 v10, v1  }
0xd8: {  	v15 =	vld [tilespmem:s13+$0xFFFFFF20];
	vm5 =	vlt.u32 v11, v1;
	[tilespmem:v16+s9+$0x0] =	vst.idx.msk vm6, v3;
	v4 =	vsub.s32 v12, v0  }
0xd9: {  	s15 =	simm.s32 $0x900;
	s14 =	simm.s32 $0x600;
	v12 =	vsub.s32 v19, v0;
	v7 =	vld [tilespmem:s11+$0xFFFFFF70];
	vm0 =	vlt.u32 v4, v1;
	[tilespmem:v18+s9+$0x0] =	vst.idx.msk vm9, v3  }
.LBB2_4:
0xda: {  	v16 =	vld [tilespmem:s15+$0x80];
	s14 =	sadd.s32 $0x200, s14;
	vm6 =	vlt.u32 v12, v1;
	[tilespmem:v8+s9+$0x0] =	vst.idx.msk vm2, v3;
	v6 =	vsub.s32 v6, v0  }
0xdb: {  	p3 =	slt.u32 s14, $0x3E00;
	v8 =	vsub.s32 v13, v0;
	v13 =	vld [tilespmem:s12+$0xD0];
	[tilespmem:v5+s9+$0x0] =	vst.idx.msk vm1, v3;
	vm1 =	vlt.u32 v6, v1  }
0xdc: {  	v5 =	vld [tilespmem:s15+$0xFFFFFF80];
	vm2 =	vlt.u32 v8, v1;
	v14 =	vsub.s32 v14, v0;
	[tilespmem:v9+s9+$0x0] =	vst.idx.msk vm3, v3  }
0xdd: {  	v9 =	vld [tilespmem:s15+$0x0];
	v15 =	vsub.s32 v15, v0;
	vm3 =	vlt.u32 v14, v1;
	[tilespmem:v10+s9+$0x0] =	vst.idx.msk vm4, v3  }
0xde: {  	v10 =	vld [tilespmem:s15+$0xFFFFFF00];
	vm4 =	vlt.u32 v15, v1;
	[tilespmem:v11+s9+$0x0] =	vst.idx.msk vm5, v3;
	v7 =	vsub.s32 v7, v0  }
0xdf: {  	v11 =	vsub.s32 v16, v0;
	v16 =	vld [tilespmem:s12+$0xFFFFFF50];
	vm5 =	vlt.u32 v7, v1;
	[tilespmem:v4+s9+$0x0] =	vst.idx.msk vm0, v3  }
0xe0: {  	vm0 =	vlt.u32 v11, v1;
	[tilespmem:v12+s9+$0x0] =	vst.idx.msk vm6, v3;
	v4 =	vld [tilespmem:s12+$0xFFFFFFD0];
	v12 =	vsub.s32 v13, v0  }
0xe1: {  	v5 =	vsub.s32 v5, v0;
	v13 =	vld [tilespmem:s13+$0xB0];
	vm6 =	vlt.u32 v12, v1;
	[tilespmem:v6+s9+$0x0] =	vst.idx.msk vm1, v3  }
0xe2: {  	vm1 =	vlt.u32 v5, v1;
	v6 =	vsub.s32 v9, v0;
	[tilespmem:v8+s9+$0x0] =	vst.idx.msk vm2, v3;
	v8 =	vld [tilespmem:s12+$0x50]  }
0xe3: {  	v9 =	vsub.s32 v10, v0;
	vm2 =	vlt.u32 v6, v1;
	v10 =	vld [tilespmem:s13+$0xFFFFFFB0];
	[tilespmem:v14+s9+$0x0] =	vst.idx.msk vm3, v3  }
0xe4: {  	vm3 =	vlt.u32 v9, v1;
	[tilespmem:v15+s9+$0x0] =	vst.idx.msk vm4, v3;
	v14 =	vld [tilespmem:s13+$0x30];
	v15 =	vsub.s32 v16, v0  }
0xe5: {  	v16 =	vld [tilespmem:s13+$0xFFFFFF30];
	vm4 =	vlt.u32 v15, v1;
	v4 =	vsub.s32 v4, v0;
	[tilespmem:v7+s9+$0x0] =	vst.idx.msk vm5, v3  }
0xe6: {  	[tilespmem:v11+s9+$0x0] =	vst.idx.msk vm0, v3;
	v7 =	vsub.s32 v13, v0;
	vm0 =	vlt.u32 v4, v1;
	v11 =	vld [tilespmem:s11+$0xFFFFFFF0]  }
0xe7: {  	v13 =	vld [tilespmem:s15+$0x90];
	vm5 =	vlt.u32 v7, v1;
	v8 =	vsub.s32 v8, v0;
	[tilespmem:v12+s9+$0x0] =	vst.idx.msk vm6, v3  }
0xe8: {  	[tilespmem:v5+s9+$0x0] =	vst.idx.msk vm1, v3;
	v5 =	vsub.s32 v10, v0;
	vm1 =	vlt.u32 v8, v1;
	v10 =	vld [tilespmem:s12+$0xE0]  }
0xe9: {  	v12 =	vld [tilespmem:s15+$0xFFFFFF90];
	[tilespmem:v6+s9+$0x0] =	vst.idx.msk vm2, v3;
	vm2 =	vlt.u32 v5, v1;
	v6 =	vsub.s32 v14, v0  }
0xea: {  	[tilespmem:v9+s9+$0x0] =	vst.idx.msk vm3, v3;
	v9 =	vld [tilespmem:s15+$0x10];
	v14 =	vsub.s32 v16, v0;
	vm6 =	vlt.u32 v6, v1  }
0xeb: {  	v16 =	vld [tilespmem:s15+$0xFFFFFF10];
	vm7 =	vlt.u32 v14, v1;
	[tilespmem:v15+s9+$0x0] =	vst.idx.msk vm4, v3;
	v11 =	vsub.s32 v11, v0  }
0xec: {  	v13 =	vsub.s32 v13, v0;
	v15 =	vld [tilespmem:s12+$0xFFFFFF60];
	[tilespmem:v4+s9+$0x0] =	vst.idx.msk vm0, v3;
	vm8 =	vlt.u32 v11, v1  }
0xed: {  	vm9 =	vlt.u32 v13, v1;
	[tilespmem:v7+s9+$0x0] =	vst.idx.msk vm5, v3;
	v4 =	vld [tilespmem:s12+$0xFFFFFFE0];
	v7 =	vsub.s32 v10, v0  }
0xee: {  	v10 =	vsub.s32 v12, v0;
	v12 =	vld [tilespmem:s13+$0xC0];
	[tilespmem:v8+s9+$0x0] =	vst.idx.msk vm1, v3;
	vm5 =	vlt.u32 v7, v1  }
0xef: {  	vm1 =	vlt.u32 v10, v1;
	v17 =	vsub.s32 v9, v0;
	[tilespmem:v5+s9+$0x0] =	vst.idx.msk vm2, v3;
	v5 =	vld [tilespmem:s12+$0x60]  }
0xf0: {  	v16 =	vsub.s32 v16, v0;
	vm3 =	vlt.u32 v17, v1;
	v9 =	vld [tilespmem:s13+$0xFFFFFFC0];
	[tilespmem:v6+s9+$0x0] =	vst.idx.msk vm6, v3  }
0xf1: {  	vm4 =	vlt.u32 v16, v1;
	[tilespmem:v14+s9+$0x0] =	vst.idx.msk vm7, v3;
	v14 =	vld [tilespmem:s13+$0x40];
	v18 =	vsub.s32 v15, v0  }
0xf2: {  	v15 =	vld [tilespmem:s13+$0xFFFFFF40];
	vm0 =	vlt.u32 v18, v1;
	v19 =	vsub.s32 v4, v0;
	[tilespmem:v11+s9+$0x0] =	vst.idx.msk vm8, v3  }
0xf3: {  	[tilespmem:v13+s9+$0x0] =	vst.idx.msk vm9, v3;
	v8 =	vsub.s32 v12, v0;
	vm6 =	vlt.u32 v19, v1;
	v4 =	vld [tilespmem:s11+$0x70];
	s11 =	smov.u32 s12;
	s12 =	smov.u32 s13;
	s13 =	smov.u32 s15  }
0xf4: {  	v12 =	vld [tilespmem:s15+$0xA0];
	vm2 =	vlt.u32 v8, v1;
	v5 =	vsub.s32 v5, v0;
	[tilespmem:v7+s9+$0x0] =	vst.idx.msk vm5, v3  }
.Ltmp1:
0xf5: {  	[tilespmem:v10+s9+$0x0] =	vst.idx.msk vm1, v3;
	v9 =	vsub.s32 v9, v0;
	vm1 =	vlt.u32 v5, v1;
	v6 =	vld [tilespmem:s11+$0xF0];
	(pc) =	sbr.rel @p3 .LBB2_4-.Ltmp1, $4  }
0xf6: {  	v13 =	vld [tilespmem:s15+$0xFFFFFFA0];
	[tilespmem:v17+s9+$0x0] =	vst.idx.msk vm3, v3;
	vm3 =	vlt.u32 v9, v1;
	v10 =	vsub.s32 v14, v0  }
0xf7: {  	[tilespmem:v16+s9+$0x0] =	vst.idx.msk vm4, v3;
	v14 =	vld [tilespmem:s15+$0x20];
	v11 =	vsub.s32 v15, v0;
	vm4 =	vlt.u32 v10, v1  }
0xf8: {  	v15 =	vld [tilespmem:s15+$0xFFFFFF20];
	vm5 =	vlt.u32 v11, v1;
	[tilespmem:v18+s9+$0x0] =	vst.idx.msk vm0, v3;
	v4 =	vsub.s32 v4, v0  }
0xf9: {  	s15 =	sadd.s32 $0x200, s15;
	v12 =	vsub.s32 v12, v0;
	v7 =	vld [tilespmem:s11+$0xFFFFFF70];
	[tilespmem:v19+s9+$0x0] =	vst.idx.msk vm6, v3;
	vm0 =	vlt.u32 v4, v1  }
0xfa: {  	_ = 	snop  }
0xfb: {  	vm6 =	vlt.u32 v12, v1;
	v13 =	vsub.s32 v13, v0  }
0xfc: {  	vm8 =	vlt.u32 v13, v1;
	v14 =	vsub.s32 v14, v0  }
0xfd: {  	v15 =	vsub.s32 v15, v0;
	vm9 =	vlt.u32 v14, v1  }
0xfe: {  	vm7 =	vlt.u32 v15, v1;
	_ =	sdelay $0x2  }
0xff: {  	[tilespmem:v12+s9+$0x0] =	vst.idx.msk vm6, v3  }
0x100: {  	v12 =	vld [tilespmem:s13+$0xB0];
	[tilespmem:v13+s9+$0x0] =	vst.idx.msk vm8, v3  }
0x101: {  	v33 =	vld [tilespmem:s13+$0xFFFFFFB0];
	[tilespmem:v14+s9+$0x0] =	vst.idx.msk vm9, v3  }
0x102: {  	[tilespmem:v15+s9+$0x0] =	vst.idx.msk vm7, v3;
	v14 =	vld [tilespmem:s13+$0x30]  }
0x103: {  	v32 =	vld [tilespmem:s13+$0xFFFFFF30];
	_ =	sdelay $0x1  }
0x104: {  	v12 =	vsub.s32 v12, v0  }
0x105: {  	vm14 =	vlt.u32 v12, v1;
	v15 =	vsub.s32 v33, v0  }
0x106: {  	vm12 =	vlt.u32 v15, v1;
	v14 =	vsub.s32 v14, v0  }
0x107: {  	v13 =	vsub.s32 v32, v0;
	vm13 =	vlt.u32 v14, v1  }
0x108: {  	vm15 =	vlt.u32 v13, v1;
	_ =	sdelay $0x2  }
0x109: {  	[tilespmem:v12+s9+$0x0] =	vst.idx.msk vm14, v3  }
0x10a: {  	v12 =	vld [tilespmem:s13+$0xC0];
	[tilespmem:v15+s9+$0x0] =	vst.idx.msk vm12, v3  }
0x10b: {  	v15 =	vld [tilespmem:s13+$0xFFFFFFC0];
	[tilespmem:v14+s9+$0x0] =	vst.idx.msk vm13, v3  }
0x10c: {  	[tilespmem:v13+s9+$0x0] =	vst.idx.msk vm15, v3;
	v14 =	vld [tilespmem:s13+$0x40]  }
0x10d: {  	v13 =	vld [tilespmem:s13+$0xFFFFFF40];
	_ =	sdelay $0x1  }
0x10e: {  	v12 =	vsub.s32 v12, v0  }
0x10f: {  	[tilespmem:v8+s9+$0x0] =	vst.idx.msk vm2, v3;
	vm14 =	vlt.u32 v12, v1;
	v15 =	vsub.s32 v15, v0  }
0x110: {  	v35 =	vld [tilespmem:s12+$0xD0];
	vm8 =	vlt.u32 v15, v1;
	v34 =	vsub.s32 v14, v0  }
0x111: {  	v13 =	vsub.s32 v13, v0;
	vm9 =	vlt.u32 v34, v1  }
0x112: {  	[tilespmem:v9+s9+$0x0] =	vst.idx.msk vm3, v3;
	vm15 =	vlt.u32 v13, v1  }
0x113: {  	[tilespmem:v10+s9+$0x0] =	vst.idx.msk vm4, v3;
	v37 =	vld [tilespmem:s12+$0xFFFFFFD0]  }
0x114: {  	[tilespmem:v11+s9+$0x0] =	vst.idx.msk vm5, v3;
	v38 =	vld [tilespmem:s12+$0x50]  }
0x115: {  	v36 =	vld [tilespmem:s12+$0xFFFFFF50];
	v39 =	vsub.s32 v35, v0;
	[tilespmem:v12+s9+$0x0] =	vst.idx.msk vm14, v3  }
0x116: {  	vm10 =	vlt.u32 v39, v1;
	v12 =	vld [tilespmem:s13+$0xD0];
	[tilespmem:v15+s9+$0x0] =	vst.idx.msk vm8, v3  }
0x117: {  	[tilespmem:v34+s9+$0x0] =	vst.idx.msk vm9, v3;
	v41 =	vld [tilespmem:s13+$0xFFFFFFD0]  }
0x118: {  	v10 =	vsub.s32 v37, v0;
	[tilespmem:v13+s9+$0x0] =	vst.idx.msk vm15, v3;
	v42 =	vld [tilespmem:s13+$0x50]  }
0x119: {  	v11 =	vsub.s32 v38, v0;
	vm12 =	vlt.u32 v10, v1;
	v40 =	vld [tilespmem:s13+$0xFFFFFF50]  }
0x11a: {  	v9 =	vsub.s32 v36, v0;
	vm13 =	vlt.u32 v11, v1  }
0x11b: {  	vm11 =	vlt.u32 v9, v1;
	v12 =	vsub.s32 v12, v0  }
0x11c: {  	[tilespmem:v39+s9+$0x0] =	vst.idx.msk vm10, v3;
	vm14 =	vlt.u32 v12, v1;
	v8 =	vsub.s32 v41, v0  }
0x11d: {  	v44 =	vld [tilespmem:s12+$0xE0];
	vm9 =	vlt.u32 v8, v1;
	v43 =	vsub.s32 v42, v0  }
0x11e: {  	v14 =	vsub.s32 v40, v0;
	vm10 =	vlt.u32 v43, v1  }
0x11f: {  	[tilespmem:v10+s9+$0x0] =	vst.idx.msk vm12, v3;
	vm15 =	vlt.u32 v14, v1  }
0x120: {  	v46 =	vld [tilespmem:s12+$0xFFFFFFE0];
	[tilespmem:v11+s9+$0x0] =	vst.idx.msk vm13, v3  }
0x121: {  	[tilespmem:v9+s9+$0x0] =	vst.idx.msk vm11, v3;
	v11 =	vld [tilespmem:s12+$0x60]  }
0x122: {  	v45 =	vld [tilespmem:s12+$0xFFFFFF60];
	v9 =	vsub.s32 v44, v0;
	[tilespmem:v12+s9+$0x0] =	vst.idx.msk vm14, v3  }
0x123: {  	vm11 =	vlt.u32 v9, v1;
	v12 =	vld [tilespmem:s13+$0xE0];
	[tilespmem:v8+s9+$0x0] =	vst.idx.msk vm9, v3  }
0x124: {  	v48 =	vld [tilespmem:s13+$0xFFFFFFE0];
	[tilespmem:v43+s9+$0x0] =	vst.idx.msk vm10, v3  }
0x125: {  	v49 =	vsub.s32 v46, v0;
	[tilespmem:v14+s9+$0x0] =	vst.idx.msk vm15, v3;
	v50 =	vld [tilespmem:s13+$0x60]  }
0x126: {  	vm13 =	vlt.u32 v49, v1;
	v11 =	vsub.s32 v11, v0;
	v14 =	vld [tilespmem:s13+$0xFFFFFF60]  }
0x127: {  	v47 =	vsub.s32 v45, v0;
	vm14 =	vlt.u32 v11, v1  }
0x128: {  	vm12 =	vlt.u32 v47, v1;
	v12 =	vsub.s32 v12, v0  }
0x129: {  	[tilespmem:v9+s9+$0x0] =	vst.idx.msk vm11, v3;
	vm15 =	vlt.u32 v12, v1;
	v10 =	vsub.s32 v48, v0  }
0x12a: {  	[tilespmem:v5+s9+$0x0] =	vst.idx.msk vm1, v3;
	v52 =	vld [tilespmem:s12+$0xF0];
	vm10 =	vlt.u32 v10, v1;
	v15 =	vsub.s32 v50, v0  }
0x12b: {  	v5 =	vld [tilespmem:s11+$0xFFFFFFF0];
	[tilespmem:v4+s9+$0x0] =	vst.idx.msk vm0, v3;
	v14 =	vsub.s32 v14, v0;
	vm11 =	vlt.u32 v15, v1  }
0x12c: {  	v51 =	vld [tilespmem:s11+$0x70];
	[tilespmem:v49+s9+$0x0] =	vst.idx.msk vm13, v3;
	vm9 =	vlt.u32 v14, v1  }
0x12d: {  	v6 =	vsub.s32 v6, v0;
	v54 =	vld [tilespmem:s12+$0xFFFFFFF0];
	[tilespmem:v11+s9+$0x0] =	vst.idx.msk vm14, v3  }
0x12e: {  	v7 =	vsub.s32 v7, v0;
	[tilespmem:v47+s9+$0x0] =	vst.idx.msk vm12, v3;
	vm12 =	vlt.u32 v6, v1;
	v55 =	vld [tilespmem:s12+$0x70]  }
0x12f: {  	v53 =	vld [tilespmem:s12+$0xFFFFFF70];
	vm13 =	vlt.u32 v7, v1;
	v8 =	vsub.s32 v52, v0;
	[tilespmem:v12+s9+$0x0] =	vst.idx.msk vm15, v3  }
0x130: {  	v5 =	vsub.s32 v5, v0;
	vm8 =	vlt.u32 v8, v1;
	v56 =	vld [tilespmem:s13+$0xF0];
	[tilespmem:v10+s9+$0x0] =	vst.idx.msk vm10, v3  }
0x131: {  	v9 =	vsub.s32 v51, v0;
	vm14 =	vlt.u32 v5, v1;
	[tilespmem:v15+s9+$0x0] =	vst.idx.msk vm11, v3;
	v58 =	vld [tilespmem:s13+$0xFFFFFFF0]  }
0x132: {  	v4 =	vsub.s32 v54, v0;
	vm15 =	vlt.u32 v9, v1;
	[tilespmem:v14+s9+$0x0] =	vst.idx.msk vm9, v3;
	v59 =	vld [tilespmem:s13+$0x70]  }
0x133: {  	v60 =	vsub.s32 v55, v0;
	vm10 =	vlt.u32 v4, v1;
	v57 =	vld [tilespmem:s13+$0xFFFFFF70]  }
0x134: {  	v13 =	vsub.s32 v53, v0;
	[tilespmem:v6+s9+$0x0] =	vst.idx.msk vm12, v3;
	vm11 =	vlt.u32 v60, v1  }
0x135: {  	[tilespmem:v7+s9+$0x0] =	vst.idx.msk vm13, v3;
	vm9 =	vlt.u32 v13, v1;
	v61 =	vsub.s32 v56, v0  }
0x136: {  	[tilespmem:v8+s9+$0x0] =	vst.idx.msk vm8, v3;
	vm12 =	vlt.u32 v61, v1;
	v62 =	vsub.s32 v58, v0  }
0x137: {  	[tilespmem:v5+s9+$0x0] =	vst.idx.msk vm14, v3;
	vm14 =	vlt.u32 v62, v1;
	v63 =	vsub.s32 v59, v0  }
0x138: {  	[tilespmem:v9+s9+$0x0] =	vst.idx.msk vm15, v3;
	v5 =	vsub.s32 v57, v0;
	vm15 =	vlt.u32 v63, v1  }
0x139: {  	[tilespmem:v4+s9+$0x0] =	vst.idx.msk vm10, v3;
	vm13 =	vlt.u32 v5, v1  }
0x13a: {  	[tilespmem:v60+s9+$0x0] =	vst.idx.msk vm11, v3  }
0x13b: {  	[tilespmem:v13+s9+$0x0] =	vst.idx.msk vm9, v3  }
0x13c: {  	[tilespmem:v61+s9+$0x0] =	vst.idx.msk vm12, v3  }
0x13d: {  	[tilespmem:v62+s9+$0x0] =	vst.idx.msk vm14, v3  }
0x13e: {  	[tilespmem:v63+s9+$0x0] =	vst.idx.msk vm15, v3  }
0x13f: {  	s11 =	simm.s32 @!p1 $0x0;
	s12 =	simm.s32 @!p1 $0x4000;
	[tilespmem:v5+s9+$0x0] =	vst.idx.msk vm13, v3  }
0x140: {  	[hbm4b:s6+s11] =	stream.linear.scatter @!p1 [tilespmem:s12], [sflag:$0x2], $0x5820, $0x38;
	[tilespmem:$0xDD00] =	vst v63  }
0x141: {  	s11 =	simm.s32 @!p1 $0x2  }
0x142: {  	_ =	swait.ge @!p1 [sflag:s11], $0x5820  }
0x143: {  	[sflag:s11] =	ssyncset.done @!p1 $0x0  }
0x144: {  	s12 =	simm.s32 @!p2 $0x4000;
	[sflag:s11] =	ssyncadd.s32 @!p1 $0xFFFFA7E0;
	s11 =	simm.s32 @!p2 $0x0  }
0x145: {  	[hbm4b:s5+s11] =	stream.linear.scatter @!p2 [tilespmem:s12], [sflag:$0x2], $0x57E0, $0x38;
	[tilespmem:$0xDD00] =	vst v63  }
0x146: {  	s11 =	simm.s32 @!p2 $0x2  }
0x147: {  	s10 =	sadd.s32 $0x1, s10;
	_ =	swait.ge @!p2 [sflag:s11], $0x57E0  }
0x148: {  	p3 =	sne.s32 s10, s7;
	[sflag:s11] =	ssyncset.done @!p2 $0x0  }
0x149: {  	s12 =	simm.s32 @!p0 $0x4000;
	[sflag:s11] =	ssyncadd.s32 @!p2 $0xFFFFA820;
	s11 =	simm.s32 @!p0 $0x0  }
0x14a: {  	[hbm4b:s4+s11] =	stream.linear.scatter @!p0 [tilespmem:s12], [sflag:$0x2], $0x9C40, $0x38;
	[tilespmem:$0xDD00] =	vst v63  }
.Ltmp2:
0x14b: {  	_ = 	snop;
	(pc) =	sbr.rel @p3 .LBB2_1-.Ltmp2, $4  }
0x14c: {  	s11 =	simm.s32 @!p0 $0x2  }
0x14d: {  	_ =	swait.ge @!p0 [sflag:s11], $0x9C40  }
0x14e: {  	[sflag:s11] =	ssyncset.done @!p0 $0x0  }
0x14f: {  	[sflag:s11] =	ssyncadd.s32 @!p0 $0xFFFF63C0  }
0x150: {  	_ =	sfence.sel $0x180000  }
0x151: {  	[bflag:$0x0] =	sbarrier.arrive $0xFFFF  }
0x152: {  	p0 =	sne.s32 s2, $0x0;
	_ =	strace $0x90000047  }
0x153: {  	s0 =	sadd.s32 @!p0 $0x100000, s0;
	[bflag:$0x2] =	sbarrier.arrive $0xFFFF  }
0x154: {  	[sflag:s0] =	ssyncadd.tile.s32 @!p0 $0x1;
	_ =	shalt  }
.Lfunc_end2:
_tile_overlayer_lowered:
.L_overlay_start_2:
0x155: {  	(tag) =	ssettag $0x2  }
0x156: {  	s0 =	rddreg [dreg:$0x0];
	s2 =	stileid.u32  }
0x157: {  	s1 =	rddreg [dreg:$0x1];
	p0 =	sne.s32 s2, $0x0  }
0x158: {  	s3 =	rddreg [dreg:$0x2];
	[bflag:$0x3] =	sbarrier.arrive $0xFFFF;
	s2 =	simm.s32 @!p0 $0x1C02  }
0x159: {  	[timem:s3], [sflag:s2] =	dma.local @!p0 [hbm:s0], s1  }
0x15a: {  	s0 =	simm.s32 @!p0 $0x2  }
0x15b: {  	_ =	swait.ge @!p0 [sflag:s0], s1  }
0x15c: {  	s1 =	ssub.s32 @!p0 $0x0, s1;
	[sflag:s0] =	ssyncset.done @!p0 $0x0  }
0x15d: {  	[sflag:s0] =	ssyncadd.s32 @!p0 s1  }
0x15e: {  	[bflag:$0x3] =	sbarrier.arrive $0xFFFF  }
0x15f: {  	_ =	shalt  }

</sc_bundles>
